<compile_context>
chip_gen: v7x
topology: tpu7x:2x2x1
jax: 0.10.2.dev20260603
libtpu: 0.0.44.dev20260713+nightly
codegen_flags: <defaults>
</compile_context>

<pallas_src>
import functools

import jax
import jax.numpy as jnp
from jax import lax
from jax.experimental import pallas as pl
from jax.experimental.pallas import tpu as pltpu
from jax.experimental.pallas import tpu_sc as plsc

NC = 2
NS = 16
NW = NC * NS

CHUNK = 128
KBUF = 8


def _make_emb(B, D):
    n_ch = B // (NW * CHUNK)
    assert B == NW * n_ch * CHUNK and n_ch % KBUF == 0

    mesh = plsc.VectorSubcoreMesh(core_axis_name="c", subcore_axis_name="s")

    @functools.partial(
        pl.kernel,
        out_type=jax.ShapeDtypeStruct((B, D), jnp.float32),
        mesh=mesh,
        scratch_types=[
            pltpu.VMEM((n_ch, CHUNK), jnp.int32),
            pltpu.VMEM((KBUF, CHUNK, D), jnp.float32),
        ] + [pltpu.SemaphoreType.DMA] * KBUF,
        compiler_params=pltpu.CompilerParams(use_tc_tiling_on_sc=False),
    )
    def emb(idx_hbm, table_hbm, out_hbm, idx_v, rows_v, *gsems):
        wid = lax.axis_index("s") * NC + lax.axis_index("c")
        pltpu.sync_copy(idx_hbm.at[pl.ds(wid * n_ch, n_ch)], idx_v)
        base = wid * n_ch * CHUNK

        def gather(j, b):
            pltpu.async_copy(table_hbm.at[idx_v.at[j]], rows_v.at[b], gsems[b])

        def drain_store(j, b):
            pltpu.make_async_copy(
                table_hbm.at[idx_v.at[j]], rows_v.at[b], gsems[b]
            ).wait()
            pltpu.sync_copy(rows_v.at[b], out_hbm.at[pl.ds(base + j * CHUNK, CHUNK)])

        for b in range(KBUF):
            gather(b, b)

        def step(jj, carry):
            j0 = jj * KBUF
            for b in range(KBUF):
                drain_store(j0 + b, b)
                gather(j0 + b + KBUF, b)
            return carry

        lax.fori_loop(0, n_ch // KBUF - 1, step, 0)

        j0 = n_ch - KBUF
        for b in range(KBUF):
            drain_store(j0 + b, b)

    return emb


def kernel(H, table):
    B0, B1 = H.shape
    D = table.shape[1]
    B = B0 * B1
    idx = H.reshape(-1).astype(jnp.int32).reshape(B // CHUNK, CHUNK)
    out = _make_emb(B, D)(idx, table)
    return out.reshape(B0, B1, D)

# --- scband reference (transcript-rebuilt; emitter-appended) ---
"""Pipeline reference for scband-embedding-43679817400968 (READ-ONLY COPY).

The authoritative reference and input builder live on the scoring server;
editing this copy changes nothing except your own understanding.
"""

import jax, jax.numpy as jnp
import numpy as np

NUM_EMB = 1000000
EMB_DIM = 32
PADDING_IDX = 0

def setup_inputs(seed: int = 0) -> dict:
    key = jax.random.key(seed)
    k_idx, k_tab = jax.random.split(key)
    H = jax.random.randint(k_idx, (4096, 200), 0, NUM_EMB, dtype=jnp.int64)
    table = jax.random.normal(k_tab, (NUM_EMB, EMB_DIM), dtype=jnp.float32)
    # nn.Embedding with padding_idx zeros that row at init
    table = table.at[PADDING_IDX].set(0.0)
    return {"H": H, "table": table}

def reference(H, table):
    # Faithful to nn.Embedding(num_emb, emb_dim, padding_idx=PADDING_IDX):
    # gather rows; padding_idx row is zero (enforced explicitly so output
    # matches torch semantics even if table row were nonzero).
    emb = jnp.take(table, H, axis=0)
    pad_mask = (H == PADDING_IDX)[..., None]
    emb = jnp.where(pad_mask, 0.0, emb)
    return emb

if __name__ == "__main__":
    import jax
    _d = setup_inputs()
    print(jax.jit(kernel)(*tuple(_d.values())))

</pallas_src>

<mosaic_0001>
#map = affine_map<(d0, d1) -> (0, 0)>
module attributes {stable_mosaic.version = 14 : i64} {
  func.func @emb(%arg0: i32, %arg1: i32, %arg2: memref<6400x128xi32, #tpu.memory_space<hbm>>, %arg3: memref<1000000x32xf32, #tpu.memory_space<hbm>>, %arg4: memref<819200x32xf32, #tpu.memory_space<hbm>>, %arg5: memref<200x128xi32, #tpu.memory_space<vmem>>, %arg6: memref<8x128x32xf32, #tpu.memory_space<vmem>>, %arg7: memref<!tpu.dma_semaphore, #tpu.memory_space<semaphore_mem>>, %arg8: memref<!tpu.dma_semaphore, #tpu.memory_space<semaphore_mem>>, %arg9: memref<!tpu.dma_semaphore, #tpu.memory_space<semaphore_mem>>, %arg10: memref<!tpu.dma_semaphore, #tpu.memory_space<semaphore_mem>>, %arg11: memref<!tpu.dma_semaphore, #tpu.memory_space<semaphore_mem>>, %arg12: memref<!tpu.dma_semaphore, #tpu.memory_space<semaphore_mem>>, %arg13: memref<!tpu.dma_semaphore, #tpu.memory_space<semaphore_mem>>, %arg14: memref<!tpu.dma_semaphore, #tpu.memory_space<semaphore_mem>>) attributes {dimension_semantics = [#tpu.dimension_semantics<core_parallel>, #tpu.dimension_semantics<subcore_parallel>], iteration_bounds = array<i64: 2, 16>, scalar_prefetch = 0 : i64, scratch_operands = 10 : i64, tpu.core_type = #tpu.core_type<sc_vector_subcore>, window_params = [{transform_indices = #map}, {transform_indices = #map}, {transform_indices = #map}]} {
    %mul3A = arith.constant 2 : i32
    %mul3A_0 = arith.muli %arg1, %mul3A : i32
    %add3A = arith.addi %mul3A_0, %arg0 : i32
    %mul3A_1 = arith.constant 200 : i32
    %mul3A_2 = arith.muli %add3A, %mul3A_1 : i32
    "tpu.region"() ({
      %run_scoped3A_225 = tpu.sem_alloc : memref<!tpu.dma_semaphore, #tpu.memory_space<semaphore_mem>>
      %dma_start3A_226 = arith.constant 0 : i32
      %dma_start3A_227 = tpu.memref_slice %arg2[%mul3A_2, %dma_start3A_226] : memref<6400x128xi32, #tpu.memory_space<hbm>> -> memref<200x128xi32, #tpu.memory_space<hbm>>
      %dma_start3A_228 = arith.constant 0 : i32
      %dma_start3A_229 = tpu.memref_slice %arg2[%mul3A_2, %dma_start3A_228] : memref<6400x128xi32, #tpu.memory_space<hbm>> -> memref<200x128xi32, #tpu.memory_space<hbm>>
      tpu.enqueue_dma source(%dma_start3A_229 : memref<200x128xi32, #tpu.memory_space<hbm>>) target(%arg5 : memref<200x128xi32, #tpu.memory_space<vmem>>) target_semaphore(%run_scoped3A_225 : memref<!tpu.dma_semaphore, #tpu.memory_space<semaphore_mem>>)
      %dma_wait3A_230 = arith.constant 0 : i32
      %dma_wait3A_231 = tpu.memref_slice %arg2[%mul3A_2, %dma_wait3A_230] : memref<6400x128xi32, #tpu.memory_space<hbm>> -> memref<200x128xi32, #tpu.memory_space<hbm>>
      %dma_wait3A_232 = arith.constant 0 : i32
      %dma_wait3A_233 = tpu.memref_slice %arg2[%mul3A_2, %dma_wait3A_232] : memref<6400x128xi32, #tpu.memory_space<hbm>> -> memref<200x128xi32, #tpu.memory_space<hbm>>
      tpu.wait_dma2 semaphore(%run_scoped3A_225 : memref<!tpu.dma_semaphore, #tpu.memory_space<semaphore_mem>>) src(%dma_wait3A_233 : memref<200x128xi32, #tpu.memory_space<hbm>>) dst(%arg5 : memref<200x128xi32, #tpu.memory_space<vmem>>)
      tpu.yield
    }) : () -> ()
    %mul3A_3 = arith.constant 200 : i32
    %mul3A_4 = arith.muli %add3A, %mul3A_3 : i32
    %mul3A_5 = arith.constant 128 : i32
    %mul3A_6 = arith.muli %mul3A_4, %mul3A_5 : i32
    %dma_start3A = arith.constant 0 : i32
    %dma_start3A_7 = arith.constant 0 : i32
    %dma_start3A_8 = arith.constant 0 : i32
    %dma_start3A_9 = arith.constant 0 : i32
    %dma_start3A_10 = tpu.memref_slice %arg6[%dma_start3A_7, %dma_start3A_8, %dma_start3A_9] : memref<8x128x32xf32, #tpu.memory_space<vmem>> -> memref<1x128x32xf32, #tpu.memory_space<vmem>>
    %dma_start3A_11 = tpu.memref_squeeze %dma_start3A_10 : memref<1x128x32xf32, #tpu.memory_space<vmem>> -> memref<128x32xf32, #tpu.memory_space<vmem>>
    %dma_start3A_12 = arith.constant 0 : i32
    %dma_start3A_13 = tpu.memref_slice %arg5[%dma_start3A, %dma_start3A_12] : memref<200x128xi32, #tpu.memory_space<vmem>> -> memref<1x128xi32, #tpu.memory_space<vmem>>
    %dma_start3A_14 = tpu.memref_squeeze %dma_start3A_13 : memref<1x128xi32, #tpu.memory_space<vmem>> -> memref<128xi32, #tpu.memory_space<vmem>>
    %dma_start3A_15 = arith.constant 0 : i32
    %dma_start3A_16 = arith.constant 0 : i32
    %dma_start3A_17 = tpu.memref_slice %arg3[%dma_start3A_15, %dma_start3A_16] : memref<1000000x32xf32, #tpu.memory_space<hbm>> -> memref<1000000x32xf32, #tpu.memory_space<hbm>>
    tpu.enqueue_indirect_dma source(%dma_start3A_17 : memref<1000000x32xf32, #tpu.memory_space<hbm>>) target(%dma_start3A_11 : memref<128x32xf32, #tpu.memory_space<vmem>>) offsets(%dma_start3A_14 : memref<128xi32, #tpu.memory_space<vmem>>) semaphore(%arg7 : memref<!tpu.dma_semaphore, #tpu.memory_space<semaphore_mem>>)
    %dma_start3A_18 = arith.constant 1 : i32
    %dma_start3A_19 = arith.constant 1 : i32
    %dma_start3A_20 = arith.constant 0 : i32
    %dma_start3A_21 = arith.constant 0 : i32
    %dma_start3A_22 = tpu.memref_slice %arg6[%dma_start3A_19, %dma_start3A_20, %dma_start3A_21] : memref<8x128x32xf32, #tpu.memory_space<vmem>> -> memref<1x128x32xf32, #tpu.memory_space<vmem>>
    %dma_start3A_23 = tpu.memref_squeeze %dma_start3A_22 : memref<1x128x32xf32, #tpu.memory_space<vmem>> -> memref<128x32xf32, #tpu.memory_space<vmem>>
    %dma_start3A_24 = arith.constant 0 : i32
    %dma_start3A_25 = tpu.memref_slice %arg5[%dma_start3A_18, %dma_start3A_24] : memref<200x128xi32, #tpu.memory_space<vmem>> -> memref<1x128xi32, #tpu.memory_space<vmem>>
    %dma_start3A_26 = tpu.memref_squeeze %dma_start3A_25 : memref<1x128xi32, #tpu.memory_space<vmem>> -> memref<128xi32, #tpu.memory_space<vmem>>
    %dma_start3A_27 = arith.constant 0 : i32
    %dma_start3A_28 = arith.constant 0 : i32
    %dma_start3A_29 = tpu.memref_slice %arg3[%dma_start3A_27, %dma_start3A_28] : memref<1000000x32xf32, #tpu.memory_space<hbm>> -> memref<1000000x32xf32, #tpu.memory_space<hbm>>
    tpu.enqueue_indirect_dma source(%dma_start3A_29 : memref<1000000x32xf32, #tpu.memory_space<hbm>>) target(%dma_start3A_23 : memref<128x32xf32, #tpu.memory_space<vmem>>) offsets(%dma_start3A_26 : memref<128xi32, #tpu.memory_space<vmem>>) semaphore(%arg8 : memref<!tpu.dma_semaphore, #tpu.memory_space<semaphore_mem>>)
    %dma_start3A_30 = arith.constant 2 : i32
    %dma_start3A_31 = arith.constant 2 : i32
    %dma_start3A_32 = arith.constant 0 : i32
    %dma_start3A_33 = arith.constant 0 : i32
    %dma_start3A_34 = tpu.memref_slice %arg6[%dma_start3A_31, %dma_start3A_32, %dma_start3A_33] : memref<8x128x32xf32, #tpu.memory_space<vmem>> -> memref<1x128x32xf32, #tpu.memory_space<vmem>>
    %dma_start3A_35 = tpu.memref_squeeze %dma_start3A_34 : memref<1x128x32xf32, #tpu.memory_space<vmem>> -> memref<128x32xf32, #tpu.memory_space<vmem>>
    %dma_start3A_36 = arith.constant 0 : i32
    %dma_start3A_37 = tpu.memref_slice %arg5[%dma_start3A_30, %dma_start3A_36] : memref<200x128xi32, #tpu.memory_space<vmem>> -> memref<1x128xi32, #tpu.memory_space<vmem>>
    %dma_start3A_38 = tpu.memref_squeeze %dma_start3A_37 : memref<1x128xi32, #tpu.memory_space<vmem>> -> memref<128xi32, #tpu.memory_space<vmem>>
    %dma_start3A_39 = arith.constant 0 : i32
    %dma_start3A_40 = arith.constant 0 : i32
    %dma_start3A_41 = tpu.memref_slice %arg3[%dma_start3A_39, %dma_start3A_40] : memref<1000000x32xf32, #tpu.memory_space<hbm>> -> memref<1000000x32xf32, #tpu.memory_space<hbm>>
    tpu.enqueue_indirect_dma source(%dma_start3A_41 : memref<1000000x32xf32, #tpu.memory_space<hbm>>) target(%dma_start3A_35 : memref<128x32xf32, #tpu.memory_space<vmem>>) offsets(%dma_start3A_38 : memref<128xi32, #tpu.memory_space<vmem>>) semaphore(%arg9 : memref<!tpu.dma_semaphore, #tpu.memory_space<semaphore_mem>>)
    %dma_start3A_42 = arith.constant 3 : i32
    %dma_start3A_43 = arith.constant 3 : i32
    %dma_start3A_44 = arith.constant 0 : i32
    %dma_start3A_45 = arith.constant 0 : i32
    %dma_start3A_46 = tpu.memref_slice %arg6[%dma_start3A_43, %dma_start3A_44, %dma_start3A_45] : memref<8x128x32xf32, #tpu.memory_space<vmem>> -> memref<1x128x32xf32, #tpu.memory_space<vmem>>
    %dma_start3A_47 = tpu.memref_squeeze %dma_start3A_46 : memref<1x128x32xf32, #tpu.memory_space<vmem>> -> memref<128x32xf32, #tpu.memory_space<vmem>>
    %dma_start3A_48 = arith.constant 0 : i32
    %dma_start3A_49 = tpu.memref_slice %arg5[%dma_start3A_42, %dma_start3A_48] : memref<200x128xi32, #tpu.memory_space<vmem>> -> memref<1x128xi32, #tpu.memory_space<vmem>>
    %dma_start3A_50 = tpu.memref_squeeze %dma_start3A_49 : memref<1x128xi32, #tpu.memory_space<vmem>> -> memref<128xi32, #tpu.memory_space<vmem>>
    %dma_start3A_51 = arith.constant 0 : i32
    %dma_start3A_52 = arith.constant 0 : i32
    %dma_start3A_53 = tpu.memref_slice %arg3[%dma_start3A_51, %dma_start3A_52] : memref<1000000x32xf32, #tpu.memory_space<hbm>> -> memref<1000000x32xf32, #tpu.memory_space<hbm>>
    tpu.enqueue_indirect_dma source(%dma_start3A_53 : memref<1000000x32xf32, #tpu.memory_space<hbm>>) target(%dma_start3A_47 : memref<128x32xf32, #tpu.memory_space<vmem>>) offsets(%dma_start3A_50 : memref<128xi32, #tpu.memory_space<vmem>>) semaphore(%arg10 : memref<!tpu.dma_semaphore, #tpu.memory_space<semaphore_mem>>)
    %dma_start3A_54 = arith.constant 4 : i32
    %dma_start3A_55 = arith.constant 4 : i32
    %dma_start3A_56 = arith.constant 0 : i32
    %dma_start3A_57 = arith.constant 0 : i32
    %dma_start3A_58 = tpu.memref_slice %arg6[%dma_start3A_55, %dma_start3A_56, %dma_start3A_57] : memref<8x128x32xf32, #tpu.memory_space<vmem>> -> memref<1x128x32xf32, #tpu.memory_space<vmem>>
    %dma_start3A_59 = tpu.memref_squeeze %dma_start3A_58 : memref<1x128x32xf32, #tpu.memory_space<vmem>> -> memref<128x32xf32, #tpu.memory_space<vmem>>
    %dma_start3A_60 = arith.constant 0 : i32
    %dma_start3A_61 = tpu.memref_slice %arg5[%dma_start3A_54, %dma_start3A_60] : memref<200x128xi32, #tpu.memory_space<vmem>> -> memref<1x128xi32, #tpu.memory_space<vmem>>
    %dma_start3A_62 = tpu.memref_squeeze %dma_start3A_61 : memref<1x128xi32, #tpu.memory_space<vmem>> -> memref<128xi32, #tpu.memory_space<vmem>>
    %dma_start3A_63 = arith.constant 0 : i32
    %dma_start3A_64 = arith.constant 0 : i32
    %dma_start3A_65 = tpu.memref_slice %arg3[%dma_start3A_63, %dma_start3A_64] : memref<1000000x32xf32, #tpu.memory_space<hbm>> -> memref<1000000x32xf32, #tpu.memory_space<hbm>>
    tpu.enqueue_indirect_dma source(%dma_start3A_65 : memref<1000000x32xf32, #tpu.memory_space<hbm>>) target(%dma_start3A_59 : memref<128x32xf32, #tpu.memory_space<vmem>>) offsets(%dma_start3A_62 : memref<128xi32, #tpu.memory_space<vmem>>) semaphore(%arg11 : memref<!tpu.dma_semaphore, #tpu.memory_space<semaphore_mem>>)
    %dma_start3A_66 = arith.constant 5 : i32
    %dma_start3A_67 = arith.constant 5 : i32
    %dma_start3A_68 = arith.constant 0 : i32
    %dma_start3A_69 = arith.constant 0 : i32
    %dma_start3A_70 = tpu.memref_slice %arg6[%dma_start3A_67, %dma_start3A_68, %dma_start3A_69] : memref<8x128x32xf32, #tpu.memory_space<vmem>> -> memref<1x128x32xf32, #tpu.memory_space<vmem>>
    %dma_start3A_71 = tpu.memref_squeeze %dma_start3A_70 : memref<1x128x32xf32, #tpu.memory_space<vmem>> -> memref<128x32xf32, #tpu.memory_space<vmem>>
    %dma_start3A_72 = arith.constant 0 : i32
    %dma_start3A_73 = tpu.memref_slice %arg5[%dma_start3A_66, %dma_start3A_72] : memref<200x128xi32, #tpu.memory_space<vmem>> -> memref<1x128xi32, #tpu.memory_space<vmem>>
    %dma_start3A_74 = tpu.memref_squeeze %dma_start3A_73 : memref<1x128xi32, #tpu.memory_space<vmem>> -> memref<128xi32, #tpu.memory_space<vmem>>
    %dma_start3A_75 = arith.constant 0 : i32
    %dma_start3A_76 = arith.constant 0 : i32
    %dma_start3A_77 = tpu.memref_slice %arg3[%dma_start3A_75, %dma_start3A_76] : memref<1000000x32xf32, #tpu.memory_space<hbm>> -> memref<1000000x32xf32, #tpu.memory_space<hbm>>
    tpu.enqueue_indirect_dma source(%dma_start3A_77 : memref<1000000x32xf32, #tpu.memory_space<hbm>>) target(%dma_start3A_71 : memref<128x32xf32, #tpu.memory_space<vmem>>) offsets(%dma_start3A_74 : memref<128xi32, #tpu.memory_space<vmem>>) semaphore(%arg12 : memref<!tpu.dma_semaphore, #tpu.memory_space<semaphore_mem>>)
    %dma_start3A_78 = arith.constant 6 : i32
    %dma_start3A_79 = arith.constant 6 : i32
    %dma_start3A_80 = arith.constant 0 : i32
    %dma_start3A_81 = arith.constant 0 : i32
    %dma_start3A_82 = tpu.memref_slice %arg6[%dma_start3A_79, %dma_start3A_80, %dma_start3A_81] : memref<8x128x32xf32, #tpu.memory_space<vmem>> -> memref<1x128x32xf32, #tpu.memory_space<vmem>>
    %dma_start3A_83 = tpu.memref_squeeze %dma_start3A_82 : memref<1x128x32xf32, #tpu.memory_space<vmem>> -> memref<128x32xf32, #tpu.memory_space<vmem>>
    %dma_start3A_84 = arith.constant 0 : i32
    %dma_start3A_85 = tpu.memref_slice %arg5[%dma_start3A_78, %dma_start3A_84] : memref<200x128xi32, #tpu.memory_space<vmem>> -> memref<1x128xi32, #tpu.memory_space<vmem>>
    %dma_start3A_86 = tpu.memref_squeeze %dma_start3A_85 : memref<1x128xi32, #tpu.memory_space<vmem>> -> memref<128xi32, #tpu.memory_space<vmem>>
    %dma_start3A_87 = arith.constant 0 : i32
    %dma_start3A_88 = arith.constant 0 : i32
    %dma_start3A_89 = tpu.memref_slice %arg3[%dma_start3A_87, %dma_start3A_88] : memref<1000000x32xf32, #tpu.memory_space<hbm>> -> memref<1000000x32xf32, #tpu.memory_space<hbm>>
    tpu.enqueue_indirect_dma source(%dma_start3A_89 : memref<1000000x32xf32, #tpu.memory_space<hbm>>) target(%dma_start3A_83 : memref<128x32xf32, #tpu.memory_space<vmem>>) offsets(%dma_start3A_86 : memref<128xi32, #tpu.memory_space<vmem>>) semaphore(%arg13 : memref<!tpu.dma_semaphore, #tpu.memory_space<semaphore_mem>>)
    %dma_start3A_90 = arith.constant 7 : i32
    %dma_start3A_91 = arith.constant 7 : i32
    %dma_start3A_92 = arith.constant 0 : i32
    %dma_start3A_93 = arith.constant 0 : i32
    %dma_start3A_94 = tpu.memref_slice %arg6[%dma_start3A_91, %dma_start3A_92, %dma_start3A_93] : memref<8x128x32xf32, #tpu.memory_space<vmem>> -> memref<1x128x32xf32, #tpu.memory_space<vmem>>
    %dma_start3A_95 = tpu.memref_squeeze %dma_start3A_94 : memref<1x128x32xf32, #tpu.memory_space<vmem>> -> memref<128x32xf32, #tpu.memory_space<vmem>>
    %dma_start3A_96 = arith.constant 0 : i32
    %dma_start3A_97 = tpu.memref_slice %arg5[%dma_start3A_90, %dma_start3A_96] : memref<200x128xi32, #tpu.memory_space<vmem>> -> memref<1x128xi32, #tpu.memory_space<vmem>>
    %dma_start3A_98 = tpu.memref_squeeze %dma_start3A_97 : memref<1x128xi32, #tpu.memory_space<vmem>> -> memref<128xi32, #tpu.memory_space<vmem>>
    %dma_start3A_99 = arith.constant 0 : i32
    %dma_start3A_100 = arith.constant 0 : i32
    %dma_start3A_101 = tpu.memref_slice %arg3[%dma_start3A_99, %dma_start3A_100] : memref<1000000x32xf32, #tpu.memory_space<hbm>> -> memref<1000000x32xf32, #tpu.memory_space<hbm>>
    tpu.enqueue_indirect_dma source(%dma_start3A_101 : memref<1000000x32xf32, #tpu.memory_space<hbm>>) target(%dma_start3A_95 : memref<128x32xf32, #tpu.memory_space<vmem>>) offsets(%dma_start3A_98 : memref<128xi32, #tpu.memory_space<vmem>>) semaphore(%arg14 : memref<!tpu.dma_semaphore, #tpu.memory_space<semaphore_mem>>)
    %scan3A = arith.constant 0 : i32
    %scan3A_102 = arith.constant 0 : i32
    %scan3A_103 = arith.constant 24 : i32
    %scan3A_104 = arith.addi %scan3A_102, %scan3A_103 : i32
    %scan3A_105 = arith.constant 1 : i32
    scf.for %scan3A_225 = %scan3A_102 to %scan3A_104 step %scan3A_105  : i32 {
      %mul3A_226 = arith.constant 8 : i32
      %mul3A_227 = arith.muli %scan3A_225, %mul3A_226 : i32
      %add3A_228 = arith.constant 0 : i32
      %add3A_229 = arith.addi %mul3A_227, %add3A_228 : i32
      %dma_wait3A_230 = arith.constant 0 : i32
      %dma_wait3A_231 = arith.constant 0 : i32
      %dma_wait3A_232 = arith.constant 0 : i32
      %dma_wait3A_233 = tpu.memref_slice %arg6[%dma_wait3A_230, %dma_wait3A_231, %dma_wait3A_232] : memref<8x128x32xf32, #tpu.memory_space<vmem>> -> memref<1x128x32xf32, #tpu.memory_space<vmem>>
      %dma_wait3A_234 = tpu.memref_squeeze %dma_wait3A_233 : memref<1x128x32xf32, #tpu.memory_space<vmem>> -> memref<128x32xf32, #tpu.memory_space<vmem>>
      %dma_wait3A_235 = arith.constant 0 : i32
      %dma_wait3A_236 = tpu.memref_slice %arg5[%add3A_229, %dma_wait3A_235] : memref<200x128xi32, #tpu.memory_space<vmem>> -> memref<1x128xi32, #tpu.memory_space<vmem>>
      %dma_wait3A_237 = tpu.memref_squeeze %dma_wait3A_236 : memref<1x128xi32, #tpu.memory_space<vmem>> -> memref<128xi32, #tpu.memory_space<vmem>>
      %dma_wait3A_238 = arith.constant 0 : i32
      %dma_wait3A_239 = arith.constant 0 : i32
      %dma_wait3A_240 = tpu.memref_slice %arg3[%dma_wait3A_238, %dma_wait3A_239] : memref<1000000x32xf32, #tpu.memory_space<hbm>> -> memref<1000000x32xf32, #tpu.memory_space<hbm>>
      tpu.wait_indirect_dma semaphore(%arg7 : memref<!tpu.dma_semaphore, #tpu.memory_space<semaphore_mem>>) src(%dma_wait3A_240 : memref<1000000x32xf32, #tpu.memory_space<hbm>>) dst(%dma_wait3A_234 : memref<128x32xf32, #tpu.memory_space<vmem>>)
      %mul3A_241 = arith.constant 128 : i32
      %mul3A_242 = arith.muli %add3A_229, %mul3A_241 : i32
      %add3A_243 = arith.addi %mul3A_6, %mul3A_242 : i32
      %run_scoped3A_244 = arith.constant 0 : i32
      "tpu.region"() ({
        %run_scoped3A_484 = tpu.sem_alloc : memref<!tpu.dma_semaphore, #tpu.memory_space<semaphore_mem>>
        %dma_start3A_485 = arith.constant 0 : i32
        %dma_start3A_486 = arith.constant 0 : i32
        %dma_start3A_487 = tpu.memref_slice %arg6[%run_scoped3A_244, %dma_start3A_485, %dma_start3A_486] : memref<8x128x32xf32, #tpu.memory_space<vmem>> -> memref<1x128x32xf32, #tpu.memory_space<vmem>>
        %dma_start3A_488 = tpu.memref_squeeze %dma_start3A_487 : memref<1x128x32xf32, #tpu.memory_space<vmem>> -> memref<128x32xf32, #tpu.memory_space<vmem>>
        %dma_start3A_489 = arith.constant 0 : i32
        %dma_start3A_490 = tpu.memref_slice %arg4[%add3A_243, %dma_start3A_489] : memref<819200x32xf32, #tpu.memory_space<hbm>> -> memref<128x32xf32, #tpu.memory_space<hbm>>
        %dma_start3A_491 = arith.constant 0 : i32
        %dma_start3A_492 = tpu.memref_slice %arg4[%add3A_243, %dma_start3A_491] : memref<819200x32xf32, #tpu.memory_space<hbm>> -> memref<128x32xf32, #tpu.memory_space<hbm>>
        %dma_start3A_493 = arith.constant 0 : i32
        %dma_start3A_494 = arith.constant 0 : i32
        %dma_start3A_495 = tpu.memref_slice %arg6[%run_scoped3A_244, %dma_start3A_493, %dma_start3A_494] : memref<8x128x32xf32, #tpu.memory_space<vmem>> -> memref<1x128x32xf32, #tpu.memory_space<vmem>>
        %dma_start3A_496 = tpu.memref_squeeze %dma_start3A_495 : memref<1x128x32xf32, #tpu.memory_space<vmem>> -> memref<128x32xf32, #tpu.memory_space<vmem>>
        tpu.enqueue_dma source(%dma_start3A_496 : memref<128x32xf32, #tpu.memory_space<vmem>>) target(%dma_start3A_492 : memref<128x32xf32, #tpu.memory_space<hbm>>) target_semaphore(%run_scoped3A_484 : memref<!tpu.dma_semaphore, #tpu.memory_space<semaphore_mem>>)
        %dma_wait3A_497 = arith.constant 0 : i32
        %dma_wait3A_498 = arith.constant 0 : i32
        %dma_wait3A_499 = tpu.memref_slice %arg6[%run_scoped3A_244, %dma_wait3A_497, %dma_wait3A_498] : memref<8x128x32xf32, #tpu.memory_space<vmem>> -> memref<1x128x32xf32, #tpu.memory_space<vmem>>
        %dma_wait3A_500 = tpu.memref_squeeze %dma_wait3A_499 : memref<1x128x32xf32, #tpu.memory_space<vmem>> -> memref<128x32xf32, #tpu.memory_space<vmem>>
        %dma_wait3A_501 = arith.constant 0 : i32
        %dma_wait3A_502 = tpu.memref_slice %arg4[%add3A_243, %dma_wait3A_501] : memref<819200x32xf32, #tpu.memory_space<hbm>> -> memref<128x32xf32, #tpu.memory_space<hbm>>
        %dma_wait3A_503 = arith.constant 0 : i32
        %dma_wait3A_504 = tpu.memref_slice %arg4[%add3A_243, %dma_wait3A_503] : memref<819200x32xf32, #tpu.memory_space<hbm>> -> memref<128x32xf32, #tpu.memory_space<hbm>>
        %dma_wait3A_505 = arith.constant 0 : i32
        %dma_wait3A_506 = arith.constant 0 : i32
        %dma_wait3A_507 = tpu.memref_slice %arg6[%run_scoped3A_244, %dma_wait3A_505, %dma_wait3A_506] : memref<8x128x32xf32, #tpu.memory_space<vmem>> -> memref<1x128x32xf32, #tpu.memory_space<vmem>>
        %dma_wait3A_508 = tpu.memref_squeeze %dma_wait3A_507 : memref<1x128x32xf32, #tpu.memory_space<vmem>> -> memref<128x32xf32, #tpu.memory_space<vmem>>
        tpu.wait_dma2 semaphore(%run_scoped3A_484 : memref<!tpu.dma_semaphore, #tpu.memory_space<semaphore_mem>>) src(%dma_wait3A_508 : memref<128x32xf32, #tpu.memory_space<vmem>>) dst(%dma_wait3A_504 : memref<128x32xf32, #tpu.memory_space<hbm>>)
        tpu.yield
      }) : () -> ()
      %add3A_245 = arith.constant 0 : i32
      %add3A_246 = arith.addi %mul3A_227, %add3A_245 : i32
      %add3A_247 = arith.constant 8 : i32
      %add3A_248 = arith.addi %add3A_246, %add3A_247 : i32
      %dma_start3A_249 = arith.constant 0 : i32
      %dma_start3A_250 = arith.constant 0 : i32
      %dma_start3A_251 = arith.constant 0 : i32
      %dma_start3A_252 = tpu.memref_slice %arg6[%dma_start3A_249, %dma_start3A_250, %dma_start3A_251] : memref<8x128x32xf32, #tpu.memory_space<vmem>> -> memref<1x128x32xf32, #tpu.memory_space<vmem>>
      %dma_start3A_253 = tpu.memref_squeeze %dma_start3A_252 : memref<1x128x32xf32, #tpu.memory_space<vmem>> -> memref<128x32xf32, #tpu.memory_space<vmem>>
      %dma_start3A_254 = arith.constant 0 : i32
      %dma_start3A_255 = tpu.memref_slice %arg5[%add3A_248, %dma_start3A_254] : memref<200x128xi32, #tpu.memory_space<vmem>> -> memref<1x128xi32, #tpu.memory_space<vmem>>
      %dma_start3A_256 = tpu.memref_squeeze %dma_start3A_255 : memref<1x128xi32, #tpu.memory_space<vmem>> -> memref<128xi32, #tpu.memory_space<vmem>>
      %dma_start3A_257 = arith.constant 0 : i32
      %dma_start3A_258 = arith.constant 0 : i32
      %dma_start3A_259 = tpu.memref_slice %arg3[%dma_start3A_257, %dma_start3A_258] : memref<1000000x32xf32, #tpu.memory_space<hbm>> -> memref<1000000x32xf32, #tpu.memory_space<hbm>>
      tpu.enqueue_indirect_dma source(%dma_start3A_259 : memref<1000000x32xf32, #tpu.memory_space<hbm>>) target(%dma_start3A_253 : memref<128x32xf32, #tpu.memory_space<vmem>>) offsets(%dma_start3A_256 : memref<128xi32, #tpu.memory_space<vmem>>) semaphore(%arg7 : memref<!tpu.dma_semaphore, #tpu.memory_space<semaphore_mem>>)
      %add3A_260 = arith.constant 1 : i32
      %add3A_261 = arith.addi %mul3A_227, %add3A_260 : i32
      %dma_wait3A_262 = arith.constant 1 : i32
      %dma_wait3A_263 = arith.constant 0 : i32
      %dma_wait3A_264 = arith.constant 0 : i32
      %dma_wait3A_265 = tpu.memref_slice %arg6[%dma_wait3A_262, %dma_wait3A_263, %dma_wait3A_264] : memref<8x128x32xf32, #tpu.memory_space<vmem>> -> memref<1x128x32xf32, #tpu.memory_space<vmem>>
      %dma_wait3A_266 = tpu.memref_squeeze %dma_wait3A_265 : memref<1x128x32xf32, #tpu.memory_space<vmem>> -> memref<128x32xf32, #tpu.memory_space<vmem>>
      %dma_wait3A_267 = arith.constant 0 : i32
      %dma_wait3A_268 = tpu.memref_slice %arg5[%add3A_261, %dma_wait3A_267] : memref<200x128xi32, #tpu.memory_space<vmem>> -> memref<1x128xi32, #tpu.memory_space<vmem>>
      %dma_wait3A_269 = tpu.memref_squeeze %dma_wait3A_268 : memref<1x128xi32, #tpu.memory_space<vmem>> -> memref<128xi32, #tpu.memory_space<vmem>>
      %dma_wait3A_270 = arith.constant 0 : i32
      %dma_wait3A_271 = arith.constant 0 : i32
      %dma_wait3A_272 = tpu.memref_slice %arg3[%dma_wait3A_270, %dma_wait3A_271] : memref<1000000x32xf32, #tpu.memory_space<hbm>> -> memref<1000000x32xf32, #tpu.memory_space<hbm>>
      tpu.wait_indirect_dma semaphore(%arg8 : memref<!tpu.dma_semaphore, #tpu.memory_space<semaphore_mem>>) src(%dma_wait3A_272 : memref<1000000x32xf32, #tpu.memory_space<hbm>>) dst(%dma_wait3A_266 : memref<128x32xf32, #tpu.memory_space<vmem>>)
      %mul3A_273 = arith.constant 128 : i32
      %mul3A_274 = arith.muli %add3A_261, %mul3A_273 : i32
      %add3A_275 = arith.addi %mul3A_6, %mul3A_274 : i32
      %run_scoped3A_276 = arith.constant 1 : i32
      "tpu.region"() ({
        %run_scoped3A_484 = tpu.sem_alloc : memref<!tpu.dma_semaphore, #tpu.memory_space<semaphore_mem>>
        %dma_start3A_485 = arith.constant 0 : i32
        %dma_start3A_486 = arith.constant 0 : i32
        %dma_start3A_487 = tpu.memref_slice %arg6[%run_scoped3A_276, %dma_start3A_485, %dma_start3A_486] : memref<8x128x32xf32, #tpu.memory_space<vmem>> -> memref<1x128x32xf32, #tpu.memory_space<vmem>>
        %dma_start3A_488 = tpu.memref_squeeze %dma_start3A_487 : memref<1x128x32xf32, #tpu.memory_space<vmem>> -> memref<128x32xf32, #tpu.memory_space<vmem>>
        %dma_start3A_489 = arith.constant 0 : i32
        %dma_start3A_490 = tpu.memref_slice %arg4[%add3A_275, %dma_start3A_489] : memref<819200x32xf32, #tpu.memory_space<hbm>> -> memref<128x32xf32, #tpu.memory_space<hbm>>
        %dma_start3A_491 = arith.constant 0 : i32
        %dma_start3A_492 = tpu.memref_slice %arg4[%add3A_275, %dma_start3A_491] : memref<819200x32xf32, #tpu.memory_space<hbm>> -> memref<128x32xf32, #tpu.memory_space<hbm>>
        %dma_start3A_493 = arith.constant 0 : i32
        %dma_start3A_494 = arith.constant 0 : i32
        %dma_start3A_495 = tpu.memref_slice %arg6[%run_scoped3A_276, %dma_start3A_493, %dma_start3A_494] : memref<8x128x32xf32, #tpu.memory_space<vmem>> -> memref<1x128x32xf32, #tpu.memory_space<vmem>>
        %dma_start3A_496 = tpu.memref_squeeze %dma_start3A_495 : memref<1x128x32xf32, #tpu.memory_space<vmem>> -> memref<128x32xf32, #tpu.memory_space<vmem>>
        tpu.enqueue_dma source(%dma_start3A_496 : memref<128x32xf32, #tpu.memory_space<vmem>>) target(%dma_start3A_492 : memref<128x32xf32, #tpu.memory_space<hbm>>) target_semaphore(%run_scoped3A_484 : memref<!tpu.dma_semaphore, #tpu.memory_space<semaphore_mem>>)
        %dma_wait3A_497 = arith.constant 0 : i32
        %dma_wait3A_498 = arith.constant 0 : i32
        %dma_wait3A_499 = tpu.memref_slice %arg6[%run_scoped3A_276, %dma_wait3A_497, %dma_wait3A_498] : memref<8x128x32xf32, #tpu.memory_space<vmem>> -> memref<1x128x32xf32, #tpu.memory_space<vmem>>
        %dma_wait3A_500 = tpu.memref_squeeze %dma_wait3A_499 : memref<1x128x32xf32, #tpu.memory_space<vmem>> -> memref<128x32xf32, #tpu.memory_space<vmem>>
        %dma_wait3A_501 = arith.constant 0 : i32
        %dma_wait3A_502 = tpu.memref_slice %arg4[%add3A_275, %dma_wait3A_501] : memref<819200x32xf32, #tpu.memory_space<hbm>> -> memref<128x32xf32, #tpu.memory_space<hbm>>
        %dma_wait3A_503 = arith.constant 0 : i32
        %dma_wait3A_504 = tpu.memref_slice %arg4[%add3A_275, %dma_wait3A_503] : memref<819200x32xf32, #tpu.memory_space<hbm>> -> memref<128x32xf32, #tpu.memory_space<hbm>>
        %dma_wait3A_505 = arith.constant 0 : i32
        %dma_wait3A_506 = arith.constant 0 : i32
        %dma_wait3A_507 = tpu.memref_slice %arg6[%run_scoped3A_276, %dma_wait3A_505, %dma_wait3A_506] : memref<8x128x32xf32, #tpu.memory_space<vmem>> -> memref<1x128x32xf32, #tpu.memory_space<vmem>>
        %dma_wait3A_508 = tpu.memref_squeeze %dma_wait3A_507 : memref<1x128x32xf32, #tpu.memory_space<vmem>> -> memref<128x32xf32, #tpu.memory_space<vmem>>
        tpu.wait_dma2 semaphore(%run_scoped3A_484 : memref<!tpu.dma_semaphore, #tpu.memory_space<semaphore_mem>>) src(%dma_wait3A_508 : memref<128x32xf32, #tpu.memory_space<vmem>>) dst(%dma_wait3A_504 : memref<128x32xf32, #tpu.memory_space<hbm>>)
        tpu.yield
      }) : () -> ()
      %add3A_277 = arith.constant 1 : i32
      %add3A_278 = arith.addi %mul3A_227, %add3A_277 : i32
      %add3A_279 = arith.constant 8 : i32
      %add3A_280 = arith.addi %add3A_278, %add3A_279 : i32
      %dma_start3A_281 = arith.constant 1 : i32
      %dma_start3A_282 = arith.constant 0 : i32
      %dma_start3A_283 = arith.constant 0 : i32
      %dma_start3A_284 = tpu.memref_slice %arg6[%dma_start3A_281, %dma_start3A_282, %dma_start3A_283] : memref<8x128x32xf32, #tpu.memory_space<vmem>> -> memref<1x128x32xf32, #tpu.memory_space<vmem>>
      %dma_start3A_285 = tpu.memref_squeeze %dma_start3A_284 : memref<1x128x32xf32, #tpu.memory_space<vmem>> -> memref<128x32xf32, #tpu.memory_space<vmem>>
      %dma_start3A_286 = arith.constant 0 : i32
      %dma_start3A_287 = tpu.memref_slice %arg5[%add3A_280, %dma_start3A_286] : memref<200x128xi32, #tpu.memory_space<vmem>> -> memref<1x128xi32, #tpu.memory_space<vmem>>
      %dma_start3A_288 = tpu.memref_squeeze %dma_start3A_287 : memref<1x128xi32, #tpu.memory_space<vmem>> -> memref<128xi32, #tpu.memory_space<vmem>>
      %dma_start3A_289 = arith.constant 0 : i32
      %dma_start3A_290 = arith.constant 0 : i32
      %dma_start3A_291 = tpu.memref_slice %arg3[%dma_start3A_289, %dma_start3A_290] : memref<1000000x32xf32, #tpu.memory_space<hbm>> -> memref<1000000x32xf32, #tpu.memory_space<hbm>>
      tpu.enqueue_indirect_dma source(%dma_start3A_291 : memref<1000000x32xf32, #tpu.memory_space<hbm>>) target(%dma_start3A_285 : memref<128x32xf32, #tpu.memory_space<vmem>>) offsets(%dma_start3A_288 : memref<128xi32, #tpu.memory_space<vmem>>) semaphore(%arg8 : memref<!tpu.dma_semaphore, #tpu.memory_space<semaphore_mem>>)
      %add3A_292 = arith.constant 2 : i32
      %add3A_293 = arith.addi %mul3A_227, %add3A_292 : i32
      %dma_wait3A_294 = arith.constant 2 : i32
      %dma_wait3A_295 = arith.constant 0 : i32
      %dma_wait3A_296 = arith.constant 0 : i32
      %dma_wait3A_297 = tpu.memref_slice %arg6[%dma_wait3A_294, %dma_wait3A_295, %dma_wait3A_296] : memref<8x128x32xf32, #tpu.memory_space<vmem>> -> memref<1x128x32xf32, #tpu.memory_space<vmem>>
      %dma_wait3A_298 = tpu.memref_squeeze %dma_wait3A_297 : memref<1x128x32xf32, #tpu.memory_space<vmem>> -> memref<128x32xf32, #tpu.memory_space<vmem>>
      %dma_wait3A_299 = arith.constant 0 : i32
      %dma_wait3A_300 = tpu.memref_slice %arg5[%add3A_293, %dma_wait3A_299] : memref<200x128xi32, #tpu.memory_space<vmem>> -> memref<1x128xi32, #tpu.memory_space<vmem>>
      %dma_wait3A_301 = tpu.memref_squeeze %dma_wait3A_300 : memref<1x128xi32, #tpu.memory_space<vmem>> -> memref<128xi32, #tpu.memory_space<vmem>>
      %dma_wait3A_302 = arith.constant 0 : i32
      %dma_wait3A_303 = arith.constant 0 : i32
      %dma_wait3A_304 = tpu.memref_slice %arg3[%dma_wait3A_302, %dma_wait3A_303] : memref<1000000x32xf32, #tpu.memory_space<hbm>> -> memref<1000000x32xf32, #tpu.memory_space<hbm>>
      tpu.wait_indirect_dma semaphore(%arg9 : memref<!tpu.dma_semaphore, #tpu.memory_space<semaphore_mem>>) src(%dma_wait3A_304 : memref<1000000x32xf32, #tpu.memory_space<hbm>>) dst(%dma_wait3A_298 : memref<128x32xf32, #tpu.memory_space<vmem>>)
      %mul3A_305 = arith.constant 128 : i32
      %mul3A_306 = arith.muli %add3A_293, %mul3A_305 : i32
      %add3A_307 = arith.addi %mul3A_6, %mul3A_306 : i32
      %run_scoped3A_308 = arith.constant 2 : i32
      "tpu.region"() ({
        %run_scoped3A_484 = tpu.sem_alloc : memref<!tpu.dma_semaphore, #tpu.memory_space<semaphore_mem>>
        %dma_start3A_485 = arith.constant 0 : i32
        %dma_start3A_486 = arith.constant 0 : i32
        %dma_start3A_487 = tpu.memref_slice %arg6[%run_scoped3A_308, %dma_start3A_485, %dma_start3A_486] : memref<8x128x32xf32, #tpu.memory_space<vmem>> -> memref<1x128x32xf32, #tpu.memory_space<vmem>>
        %dma_start3A_488 = tpu.memref_squeeze %dma_start3A_487 : memref<1x128x32xf32, #tpu.memory_space<vmem>> -> memref<128x32xf32, #tpu.memory_space<vmem>>
        %dma_start3A_489 = arith.constant 0 : i32
        %dma_start3A_490 = tpu.memref_slice %arg4[%add3A_307, %dma_start3A_489] : memref<819200x32xf32, #tpu.memory_space<hbm>> -> memref<128x32xf32, #tpu.memory_space<hbm>>
        %dma_start3A_491 = arith.constant 0 : i32
        %dma_start3A_492 = tpu.memref_slice %arg4[%add3A_307, %dma_start3A_491] : memref<819200x32xf32, #tpu.memory_space<hbm>> -> memref<128x32xf32, #tpu.memory_space<hbm>>
        %dma_start3A_493 = arith.constant 0 : i32
        %dma_start3A_494 = arith.constant 0 : i32
        %dma_start3A_495 = tpu.memref_slice %arg6[%run_scoped3A_308, %dma_start3A_493, %dma_start3A_494] : memref<8x128x32xf32, #tpu.memory_space<vmem>> -> memref<1x128x32xf32, #tpu.memory_space<vmem>>
        %dma_start3A_496 = tpu.memref_squeeze %dma_start3A_495 : memref<1x128x32xf32, #tpu.memory_space<vmem>> -> memref<128x32xf32, #tpu.memory_space<vmem>>
        tpu.enqueue_dma source(%dma_start3A_496 : memref<128x32xf32, #tpu.memory_space<vmem>>) target(%dma_start3A_492 : memref<128x32xf32, #tpu.memory_space<hbm>>) target_semaphore(%run_scoped3A_484 : memref<!tpu.dma_semaphore, #tpu.memory_space<semaphore_mem>>)
        %dma_wait3A_497 = arith.constant 0 : i32
        %dma_wait3A_498 = arith.constant 0 : i32
        %dma_wait3A_499 = tpu.memref_slice %arg6[%run_scoped3A_308, %dma_wait3A_497, %dma_wait3A_498] : memref<8x128x32xf32, #tpu.memory_space<vmem>> -> memref<1x128x32xf32, #tpu.memory_space<vmem>>
        %dma_wait3A_500 = tpu.memref_squeeze %dma_wait3A_499 : memref<1x128x32xf32, #tpu.memory_space<vmem>> -> memref<128x32xf32, #tpu.memory_space<vmem>>
        %dma_wait3A_501 = arith.constant 0 : i32
        %dma_wait3A_502 = tpu.memref_slice %arg4[%add3A_307, %dma_wait3A_501] : memref<819200x32xf32, #tpu.memory_space<hbm>> -> memref<128x32xf32, #tpu.memory_space<hbm>>
        %dma_wait3A_503 = arith.constant 0 : i32
        %dma_wait3A_504 = tpu.memref_slice %arg4[%add3A_307, %dma_wait3A_503] : memref<819200x32xf32, #tpu.memory_space<hbm>> -> memref<128x32xf32, #tpu.memory_space<hbm>>
        %dma_wait3A_505 = arith.constant 0 : i32
        %dma_wait3A_506 = arith.constant 0 : i32
        %dma_wait3A_507 = tpu.memref_slice %arg6[%run_scoped3A_308, %dma_wait3A_505, %dma_wait3A_506] : memref<8x128x32xf32, #tpu.memory_space<vmem>> -> memref<1x128x32xf32, #tpu.memory_space<vmem>>
        %dma_wait3A_508 = tpu.memref_squeeze %dma_wait3A_507 : memref<1x128x32xf32, #tpu.memory_space<vmem>> -> memref<128x32xf32, #tpu.memory_space<vmem>>
        tpu.wait_dma2 semaphore(%run_scoped3A_484 : memref<!tpu.dma_semaphore, #tpu.memory_space<semaphore_mem>>) src(%dma_wait3A_508 : memref<128x32xf32, #tpu.memory_space<vmem>>) dst(%dma_wait3A_504 : memref<128x32xf32, #tpu.memory_space<hbm>>)
        tpu.yield
      }) : () -> ()
      %add3A_309 = arith.constant 2 : i32
      %add3A_310 = arith.addi %mul3A_227, %add3A_309 : i32
      %add3A_311 = arith.constant 8 : i32
      %add3A_312 = arith.addi %add3A_310, %add3A_311 : i32
      %dma_start3A_313 = arith.constant 2 : i32
      %dma_start3A_314 = arith.constant 0 : i32
      %dma_start3A_315 = arith.constant 0 : i32
      %dma_start3A_316 = tpu.memref_slice %arg6[%dma_start3A_313, %dma_start3A_314, %dma_start3A_315] : memref<8x128x32xf32, #tpu.memory_space<vmem>> -> memref<1x128x32xf32, #tpu.memory_space<vmem>>
      %dma_start3A_317 = tpu.memref_squeeze %dma_start3A_316 : memref<1x128x32xf32, #tpu.memory_space<vmem>> -> memref<128x32xf32, #tpu.memory_space<vmem>>
      %dma_start3A_318 = arith.constant 0 : i32
      %dma_start3A_319 = tpu.memref_slice %arg5[%add3A_312, %dma_start3A_318] : memref<200x128xi32, #tpu.memory_space<vmem>> -> memref<1x128xi32, #tpu.memory_space<vmem>>
      %dma_start3A_320 = tpu.memref_squeeze %dma_start3A_319 : memref<1x128xi32, #tpu.memory_space<vmem>> -> memref<128xi32, #tpu.memory_space<vmem>>
      %dma_start3A_321 = arith.constant 0 : i32
      %dma_start3A_322 = arith.constant 0 : i32
      %dma_start3A_323 = tpu.memref_slice %arg3[%dma_start3A_321, %dma_start3A_322] : memref<1000000x32xf32, #tpu.memory_space<hbm>> -> memref<1000000x32xf32, #tpu.memory_space<hbm>>
      tpu.enqueue_indirect_dma source(%dma_start3A_323 : memref<1000000x32xf32, #tpu.memory_space<hbm>>) target(%dma_start3A_317 : memref<128x32xf32, #tpu.memory_space<vmem>>) offsets(%dma_start3A_320 : memref<128xi32, #tpu.memory_space<vmem>>) semaphore(%arg9 : memref<!tpu.dma_semaphore, #tpu.memory_space<semaphore_mem>>)
      %add3A_324 = arith.constant 3 : i32
      %add3A_325 = arith.addi %mul3A_227, %add3A_324 : i32
      %dma_wait3A_326 = arith.constant 3 : i32
      %dma_wait3A_327 = arith.constant 0 : i32
      %dma_wait3A_328 = arith.constant 0 : i32
      %dma_wait3A_329 = tpu.memref_slice %arg6[%dma_wait3A_326, %dma_wait3A_327, %dma_wait3A_328] : memref<8x128x32xf32, #tpu.memory_space<vmem>> -> memref<1x128x32xf32, #tpu.memory_space<vmem>>
      %dma_wait3A_330 = tpu.memref_squeeze %dma_wait3A_329 : memref<1x128x32xf32, #tpu.memory_space<vmem>> -> memref<128x32xf32, #tpu.memory_space<vmem>>
      %dma_wait3A_331 = arith.constant 0 : i32
      %dma_wait3A_332 = tpu.memref_slice %arg5[%add3A_325, %dma_wait3A_331] : memref<200x128xi32, #tpu.memory_space<vmem>> -> memref<1x128xi32, #tpu.memory_space<vmem>>
      %dma_wait3A_333 = tpu.memref_squeeze %dma_wait3A_332 : memref<1x128xi32, #tpu.memory_space<vmem>> -> memref<128xi32, #tpu.memory_space<vmem>>
      %dma_wait3A_334 = arith.constant 0 : i32
      %dma_wait3A_335 = arith.constant 0 : i32
      %dma_wait3A_336 = tpu.memref_slice %arg3[%dma_wait3A_334, %dma_wait3A_335] : memref<1000000x32xf32, #tpu.memory_space<hbm>> -> memref<1000000x32xf32, #tpu.memory_space<hbm>>
      tpu.wait_indirect_dma semaphore(%arg10 : memref<!tpu.dma_semaphore, #tpu.memory_space<semaphore_mem>>) src(%dma_wait3A_336 : memref<1000000x32xf32, #tpu.memory_space<hbm>>) dst(%dma_wait3A_330 : memref<128x32xf32, #tpu.memory_space<vmem>>)
      %mul3A_337 = arith.constant 128 : i32
      %mul3A_338 = arith.muli %add3A_325, %mul3A_337 : i32
      %add3A_339 = arith.addi %mul3A_6, %mul3A_338 : i32
      %run_scoped3A_340 = arith.constant 3 : i32
      "tpu.region"() ({
        %run_scoped3A_484 = tpu.sem_alloc : memref<!tpu.dma_semaphore, #tpu.memory_space<semaphore_mem>>
        %dma_start3A_485 = arith.constant 0 : i32
        %dma_start3A_486 = arith.constant 0 : i32
        %dma_start3A_487 = tpu.memref_slice %arg6[%run_scoped3A_340, %dma_start3A_485, %dma_start3A_486] : memref<8x128x32xf32, #tpu.memory_space<vmem>> -> memref<1x128x32xf32, #tpu.memory_space<vmem>>
        %dma_start3A_488 = tpu.memref_squeeze %dma_start3A_487 : memref<1x128x32xf32, #tpu.memory_space<vmem>> -> memref<128x32xf32, #tpu.memory_space<vmem>>
        %dma_start3A_489 = arith.constant 0 : i32
        %dma_start3A_490 = tpu.memref_slice %arg4[%add3A_339, %dma_start3A_489] : memref<819200x32xf32, #tpu.memory_space<hbm>> -> memref<128x32xf32, #tpu.memory_space<hbm>>
        %dma_start3A_491 = arith.constant 0 : i32
        %dma_start3A_492 = tpu.memref_slice %arg4[%add3A_339, %dma_start3A_491] : memref<819200x32xf32, #tpu.memory_space<hbm>> -> memref<128x32xf32, #tpu.memory_space<hbm>>
        %dma_start3A_493 = arith.constant 0 : i32
        %dma_start3A_494 = arith.constant 0 : i32
        %dma_start3A_495 = tpu.memref_slice %arg6[%run_scoped3A_340, %dma_start3A_493, %dma_start3A_494] : memref<8x128x32xf32, #tpu.memory_space<vmem>> -> memref<1x128x32xf32, #tpu.memory_space<vmem>>
        %dma_start3A_496 = tpu.memref_squeeze %dma_start3A_495 : memref<1x128x32xf32, #tpu.memory_space<vmem>> -> memref<128x32xf32, #tpu.memory_space<vmem>>
        tpu.enqueue_dma source(%dma_start3A_496 : memref<128x32xf32, #tpu.memory_space<vmem>>) target(%dma_start3A_492 : memref<128x32xf32, #tpu.memory_space<hbm>>) target_semaphore(%run_scoped3A_484 : memref<!tpu.dma_semaphore, #tpu.memory_space<semaphore_mem>>)
        %dma_wait3A_497 = arith.constant 0 : i32
        %dma_wait3A_498 = arith.constant 0 : i32
        %dma_wait3A_499 = tpu.memref_slice %arg6[%run_scoped3A_340, %dma_wait3A_497, %dma_wait3A_498] : memref<8x128x32xf32, #tpu.memory_space<vmem>> -> memref<1x128x32xf32, #tpu.memory_space<vmem>>
        %dma_wait3A_500 = tpu.memref_squeeze %dma_wait3A_499 : memref<1x128x32xf32, #tpu.memory_space<vmem>> -> memref<128x32xf32, #tpu.memory_space<vmem>>
        %dma_wait3A_501 = arith.constant 0 : i32
        %dma_wait3A_502 = tpu.memref_slice %arg4[%add3A_339, %dma_wait3A_501] : memref<819200x32xf32, #tpu.memory_space<hbm>> -> memref<128x32xf32, #tpu.memory_space<hbm>>
        %dma_wait3A_503 = arith.constant 0 : i32
        %dma_wait3A_504 = tpu.memref_slice %arg4[%add3A_339, %dma_wait3A_503] : memref<819200x32xf32, #tpu.memory_space<hbm>> -> memref<128x32xf32, #tpu.memory_space<hbm>>
        %dma_wait3A_505 = arith.constant 0 : i32
        %dma_wait3A_506 = arith.constant 0 : i32
        %dma_wait3A_507 = tpu.memref_slice %arg6[%run_scoped3A_340, %dma_wait3A_505, %dma_wait3A_506] : memref<8x128x32xf32, #tpu.memory_space<vmem>> -> memref<1x128x32xf32, #tpu.memory_space<vmem>>
        %dma_wait3A_508 = tpu.memref_squeeze %dma_wait3A_507 : memref<1x128x32xf32, #tpu.memory_space<vmem>> -> memref<128x32xf32, #tpu.memory_space<vmem>>
        tpu.wait_dma2 semaphore(%run_scoped3A_484 : memref<!tpu.dma_semaphore, #tpu.memory_space<semaphore_mem>>) src(%dma_wait3A_508 : memref<128x32xf32, #tpu.memory_space<vmem>>) dst(%dma_wait3A_504 : memref<128x32xf32, #tpu.memory_space<hbm>>)
        tpu.yield
      }) : () -> ()
      %add3A_341 = arith.constant 3 : i32
      %add3A_342 = arith.addi %mul3A_227, %add3A_341 : i32
      %add3A_343 = arith.constant 8 : i32
      %add3A_344 = arith.addi %add3A_342, %add3A_343 : i32
      %dma_start3A_345 = arith.constant 3 : i32
      %dma_start3A_346 = arith.constant 0 : i32
      %dma_start3A_347 = arith.constant 0 : i32
      %dma_start3A_348 = tpu.memref_slice %arg6[%dma_start3A_345, %dma_start3A_346, %dma_start3A_347] : memref<8x128x32xf32, #tpu.memory_space<vmem>> -> memref<1x128x32xf32, #tpu.memory_space<vmem>>
      %dma_start3A_349 = tpu.memref_squeeze %dma_start3A_348 : memref<1x128x32xf32, #tpu.memory_space<vmem>> -> memref<128x32xf32, #tpu.memory_space<vmem>>
      %dma_start3A_350 = arith.constant 0 : i32
      %dma_start3A_351 = tpu.memref_slice %arg5[%add3A_344, %dma_start3A_350] : memref<200x128xi32, #tpu.memory_space<vmem>> -> memref<1x128xi32, #tpu.memory_space<vmem>>
      %dma_start3A_352 = tpu.memref_squeeze %dma_start3A_351 : memref<1x128xi32, #tpu.memory_space<vmem>> -> memref<128xi32, #tpu.memory_space<vmem>>
      %dma_start3A_353 = arith.constant 0 : i32
      %dma_start3A_354 = arith.constant 0 : i32
      %dma_start3A_355 = tpu.memref_slice %arg3[%dma_start3A_353, %dma_start3A_354] : memref<1000000x32xf32, #tpu.memory_space<hbm>> -> memref<1000000x32xf32, #tpu.memory_space<hbm>>
      tpu.enqueue_indirect_dma source(%dma_start3A_355 : memref<1000000x32xf32, #tpu.memory_space<hbm>>) target(%dma_start3A_349 : memref<128x32xf32, #tpu.memory_space<vmem>>) offsets(%dma_start3A_352 : memref<128xi32, #tpu.memory_space<vmem>>) semaphore(%arg10 : memref<!tpu.dma_semaphore, #tpu.memory_space<semaphore_mem>>)
      %add3A_356 = arith.constant 4 : i32
      %add3A_357 = arith.addi %mul3A_227, %add3A_356 : i32
      %dma_wait3A_358 = arith.constant 4 : i32
      %dma_wait3A_359 = arith.constant 0 : i32
      %dma_wait3A_360 = arith.constant 0 : i32
      %dma_wait3A_361 = tpu.memref_slice %arg6[%dma_wait3A_358, %dma_wait3A_359, %dma_wait3A_360] : memref<8x128x32xf32, #tpu.memory_space<vmem>> -> memref<1x128x32xf32, #tpu.memory_space<vmem>>
      %dma_wait3A_362 = tpu.memref_squeeze %dma_wait3A_361 : memref<1x128x32xf32, #tpu.memory_space<vmem>> -> memref<128x32xf32, #tpu.memory_space<vmem>>
      %dma_wait3A_363 = arith.constant 0 : i32
      %dma_wait3A_364 = tpu.memref_slice %arg5[%add3A_357, %dma_wait3A_363] : memref<200x128xi32, #tpu.memory_space<vmem>> -> memref<1x128xi32, #tpu.memory_space<vmem>>
      %dma_wait3A_365 = tpu.memref_squeeze %dma_wait3A_364 : memref<1x128xi32, #tpu.memory_space<vmem>> -> memref<128xi32, #tpu.memory_space<vmem>>
      %dma_wait3A_366 = arith.constant 0 : i32
      %dma_wait3A_367 = arith.constant 0 : i32
      %dma_wait3A_368 = tpu.memref_slice %arg3[%dma_wait3A_366, %dma_wait3A_367] : memref<1000000x32xf32, #tpu.memory_space<hbm>> -> memref<1000000x32xf32, #tpu.memory_space<hbm>>
      tpu.wait_indirect_dma semaphore(%arg11 : memref<!tpu.dma_semaphore, #tpu.memory_space<semaphore_mem>>) src(%dma_wait3A_368 : memref<1000000x32xf32, #tpu.memory_space<hbm>>) dst(%dma_wait3A_362 : memref<128x32xf32, #tpu.memory_space<vmem>>)
      %mul3A_369 = arith.constant 128 : i32
      %mul3A_370 = arith.muli %add3A_357, %mul3A_369 : i32
      %add3A_371 = arith.addi %mul3A_6, %mul3A_370 : i32
      %run_scoped3A_372 = arith.constant 4 : i32
      "tpu.region"() ({
        %run_scoped3A_484 = tpu.sem_alloc : memref<!tpu.dma_semaphore, #tpu.memory_space<semaphore_mem>>
        %dma_start3A_485 = arith.constant 0 : i32
        %dma_start3A_486 = arith.constant 0 : i32
        %dma_start3A_487 = tpu.memref_slice %arg6[%run_scoped3A_372, %dma_start3A_485, %dma_start3A_486] : memref<8x128x32xf32, #tpu.memory_space<vmem>> -> memref<1x128x32xf32, #tpu.memory_space<vmem>>
        %dma_start3A_488 = tpu.memref_squeeze %dma_start3A_487 : memref<1x128x32xf32, #tpu.memory_space<vmem>> -> memref<128x32xf32, #tpu.memory_space<vmem>>
        %dma_start3A_489 = arith.constant 0 : i32
        %dma_start3A_490 = tpu.memref_slice %arg4[%add3A_371, %dma_start3A_489] : memref<819200x32xf32, #tpu.memory_space<hbm>> -> memref<128x32xf32, #tpu.memory_space<hbm>>
        %dma_start3A_491 = arith.constant 0 : i32
        %dma_start3A_492 = tpu.memref_slice %arg4[%add3A_371, %dma_start3A_491] : memref<819200x32xf32, #tpu.memory_space<hbm>> -> memref<128x32xf32, #tpu.memory_space<hbm>>
        %dma_start3A_493 = arith.constant 0 : i32
        %dma_start3A_494 = arith.constant 0 : i32
        %dma_start3A_495 = tpu.memref_slice %arg6[%run_scoped3A_372, %dma_start3A_493, %dma_start3A_494] : memref<8x128x32xf32, #tpu.memory_space<vmem>> -> memref<1x128x32xf32, #tpu.memory_space<vmem>>
        %dma_start3A_496 = tpu.memref_squeeze %dma_start3A_495 : memref<1x128x32xf32, #tpu.memory_space<vmem>> -> memref<128x32xf32, #tpu.memory_space<vmem>>
        tpu.enqueue_dma source(%dma_start3A_496 : memref<128x32xf32, #tpu.memory_space<vmem>>) target(%dma_start3A_492 : memref<128x32xf32, #tpu.memory_space<hbm>>) target_semaphore(%run_scoped3A_484 : memref<!tpu.dma_semaphore, #tpu.memory_space<semaphore_mem>>)
        %dma_wait3A_497 = arith.constant 0 : i32
        %dma_wait3A_498 = arith.constant 0 : i32
        %dma_wait3A_499 = tpu.memref_slice %arg6[%run_scoped3A_372, %dma_wait3A_497, %dma_wait3A_498] : memref<8x128x32xf32, #tpu.memory_space<vmem>> -> memref<1x128x32xf32, #tpu.memory_space<vmem>>
        %dma_wait3A_500 = tpu.memref_squeeze %dma_wait3A_499 : memref<1x128x32xf32, #tpu.memory_space<vmem>> -> memref<128x32xf32, #tpu.memory_space<vmem>>
        %dma_wait3A_501 = arith.constant 0 : i32
        %dma_wait3A_502 = tpu.memref_slice %arg4[%add3A_371, %dma_wait3A_501] : memref<819200x32xf32, #tpu.memory_space<hbm>> -> memref<128x32xf32, #tpu.memory_space<hbm>>
        %dma_wait3A_503 = arith.constant 0 : i32
        %dma_wait3A_504 = tpu.memref_slice %arg4[%add3A_371, %dma_wait3A_503] : memref<819200x32xf32, #tpu.memory_space<hbm>> -> memref<128x32xf32, #tpu.memory_space<hbm>>
        %dma_wait3A_505 = arith.constant 0 : i32
        %dma_wait3A_506 = arith.constant 0 : i32
        %dma_wait3A_507 = tpu.memref_slice %arg6[%run_scoped3A_372, %dma_wait3A_505, %dma_wait3A_506] : memref<8x128x32xf32, #tpu.memory_space<vmem>> -> memref<1x128x32xf32, #tpu.memory_space<vmem>>
        %dma_wait3A_508 = tpu.memref_squeeze %dma_wait3A_507 : memref<1x128x32xf32, #tpu.memory_space<vmem>> -> memref<128x32xf32, #tpu.memory_space<vmem>>
        tpu.wait_dma2 semaphore(%run_scoped3A_484 : memref<!tpu.dma_semaphore, #tpu.memory_space<semaphore_mem>>) src(%dma_wait3A_508 : memref<128x32xf32, #tpu.memory_space<vmem>>) dst(%dma_wait3A_504 : memref<128x32xf32, #tpu.memory_space<hbm>>)
        tpu.yield
      }) : () -> ()
      %add3A_373 = arith.constant 4 : i32
      %add3A_374 = arith.addi %mul3A_227, %add3A_373 : i32
      %add3A_375 = arith.constant 8 : i32
      %add3A_376 = arith.addi %add3A_374, %add3A_375 : i32
      %dma_start3A_377 = arith.constant 4 : i32
      %dma_start3A_378 = arith.constant 0 : i32
      %dma_start3A_379 = arith.constant 0 : i32
      %dma_start3A_380 = tpu.memref_slice %arg6[%dma_start3A_377, %dma_start3A_378, %dma_start3A_379] : memref<8x128x32xf32, #tpu.memory_space<vmem>> -> memref<1x128x32xf32, #tpu.memory_space<vmem>>
      %dma_start3A_381 = tpu.memref_squeeze %dma_start3A_380 : memref<1x128x32xf32, #tpu.memory_space<vmem>> -> memref<128x32xf32, #tpu.memory_space<vmem>>
      %dma_start3A_382 = arith.constant 0 : i32
      %dma_start3A_383 = tpu.memref_slice %arg5[%add3A_376, %dma_start3A_382] : memref<200x128xi32, #tpu.memory_space<vmem>> -> memref<1x128xi32, #tpu.memory_space<vmem>>
      %dma_start3A_384 = tpu.memref_squeeze %dma_start3A_383 : memref<1x128xi32, #tpu.memory_space<vmem>> -> memref<128xi32, #tpu.memory_space<vmem>>
      %dma_start3A_385 = arith.constant 0 : i32
      %dma_start3A_386 = arith.constant 0 : i32
      %dma_start3A_387 = tpu.memref_slice %arg3[%dma_start3A_385, %dma_start3A_386] : memref<1000000x32xf32, #tpu.memory_space<hbm>> -> memref<1000000x32xf32, #tpu.memory_space<hbm>>
      tpu.enqueue_indirect_dma source(%dma_start3A_387 : memref<1000000x32xf32, #tpu.memory_space<hbm>>) target(%dma_start3A_381 : memref<128x32xf32, #tpu.memory_space<vmem>>) offsets(%dma_start3A_384 : memref<128xi32, #tpu.memory_space<vmem>>) semaphore(%arg11 : memref<!tpu.dma_semaphore, #tpu.memory_space<semaphore_mem>>)
      %add3A_388 = arith.constant 5 : i32
      %add3A_389 = arith.addi %mul3A_227, %add3A_388 : i32
      %dma_wait3A_390 = arith.constant 5 : i32
      %dma_wait3A_391 = arith.constant 0 : i32
      %dma_wait3A_392 = arith.constant 0 : i32
      %dma_wait3A_393 = tpu.memref_slice %arg6[%dma_wait3A_390, %dma_wait3A_391, %dma_wait3A_392] : memref<8x128x32xf32, #tpu.memory_space<vmem>> -> memref<1x128x32xf32, #tpu.memory_space<vmem>>
      %dma_wait3A_394 = tpu.memref_squeeze %dma_wait3A_393 : memref<1x128x32xf32, #tpu.memory_space<vmem>> -> memref<128x32xf32, #tpu.memory_space<vmem>>
      %dma_wait3A_395 = arith.constant 0 : i32
      %dma_wait3A_396 = tpu.memref_slice %arg5[%add3A_389, %dma_wait3A_395] : memref<200x128xi32, #tpu.memory_space<vmem>> -> memref<1x128xi32, #tpu.memory_space<vmem>>
      %dma_wait3A_397 = tpu.memref_squeeze %dma_wait3A_396 : memref<1x128xi32, #tpu.memory_space<vmem>> -> memref<128xi32, #tpu.memory_space<vmem>>
      %dma_wait3A_398 = arith.constant 0 : i32
      %dma_wait3A_399 = arith.constant 0 : i32
      %dma_wait3A_400 = tpu.memref_slice %arg3[%dma_wait3A_398, %dma_wait3A_399] : memref<1000000x32xf32, #tpu.memory_space<hbm>> -> memref<1000000x32xf32, #tpu.memory_space<hbm>>
      tpu.wait_indirect_dma semaphore(%arg12 : memref<!tpu.dma_semaphore, #tpu.memory_space<semaphore_mem>>) src(%dma_wait3A_400 : memref<1000000x32xf32, #tpu.memory_space<hbm>>) dst(%dma_wait3A_394 : memref<128x32xf32, #tpu.memory_space<vmem>>)
      %mul3A_401 = arith.constant 128 : i32
      %mul3A_402 = arith.muli %add3A_389, %mul3A_401 : i32
      %add3A_403 = arith.addi %mul3A_6, %mul3A_402 : i32
      %run_scoped3A_404 = arith.constant 5 : i32
      "tpu.region"() ({
        %run_scoped3A_484 = tpu.sem_alloc : memref<!tpu.dma_semaphore, #tpu.memory_space<semaphore_mem>>
        %dma_start3A_485 = arith.constant 0 : i32
        %dma_start3A_486 = arith.constant 0 : i32
        %dma_start3A_487 = tpu.memref_slice %arg6[%run_scoped3A_404, %dma_start3A_485, %dma_start3A_486] : memref<8x128x32xf32, #tpu.memory_space<vmem>> -> memref<1x128x32xf32, #tpu.memory_space<vmem>>
        %dma_start3A_488 = tpu.memref_squeeze %dma_start3A_487 : memref<1x128x32xf32, #tpu.memory_space<vmem>> -> memref<128x32xf32, #tpu.memory_space<vmem>>
        %dma_start3A_489 = arith.constant 0 : i32
        %dma_start3A_490 = tpu.memref_slice %arg4[%add3A_403, %dma_start3A_489] : memref<819200x32xf32, #tpu.memory_space<hbm>> -> memref<128x32xf32, #tpu.memory_space<hbm>>
        %dma_start3A_491 = arith.constant 0 : i32
        %dma_start3A_492 = tpu.memref_slice %arg4[%add3A_403, %dma_start3A_491] : memref<819200x32xf32, #tpu.memory_space<hbm>> -> memref<128x32xf32, #tpu.memory_space<hbm>>
        %dma_start3A_493 = arith.constant 0 : i32
        %dma_start3A_494 = arith.constant 0 : i32
        %dma_start3A_495 = tpu.memref_slice %arg6[%run_scoped3A_404, %dma_start3A_493, %dma_start3A_494] : memref<8x128x32xf32, #tpu.memory_space<vmem>> -> memref<1x128x32xf32, #tpu.memory_space<vmem>>
        %dma_start3A_496 = tpu.memref_squeeze %dma_start3A_495 : memref<1x128x32xf32, #tpu.memory_space<vmem>> -> memref<128x32xf32, #tpu.memory_space<vmem>>
        tpu.enqueue_dma source(%dma_start3A_496 : memref<128x32xf32, #tpu.memory_space<vmem>>) target(%dma_start3A_492 : memref<128x32xf32, #tpu.memory_space<hbm>>) target_semaphore(%run_scoped3A_484 : memref<!tpu.dma_semaphore, #tpu.memory_space<semaphore_mem>>)
        %dma_wait3A_497 = arith.constant 0 : i32
        %dma_wait3A_498 = arith.constant 0 : i32
        %dma_wait3A_499 = tpu.memref_slice %arg6[%run_scoped3A_404, %dma_wait3A_497, %dma_wait3A_498] : memref<8x128x32xf32, #tpu.memory_space<vmem>> -> memref<1x128x32xf32, #tpu.memory_space<vmem>>
        %dma_wait3A_500 = tpu.memref_squeeze %dma_wait3A_499 : memref<1x128x32xf32, #tpu.memory_space<vmem>> -> memref<128x32xf32, #tpu.memory_space<vmem>>
        %dma_wait3A_501 = arith.constant 0 : i32
        %dma_wait3A_502 = tpu.memref_slice %arg4[%add3A_403, %dma_wait3A_501] : memref<819200x32xf32, #tpu.memory_space<hbm>> -> memref<128x32xf32, #tpu.memory_space<hbm>>
        %dma_wait3A_503 = arith.constant 0 : i32
        %dma_wait3A_504 = tpu.memref_slice %arg4[%add3A_403, %dma_wait3A_503] : memref<819200x32xf32, #tpu.memory_space<hbm>> -> memref<128x32xf32, #tpu.memory_space<hbm>>
        %dma_wait3A_505 = arith.constant 0 : i32
        %dma_wait3A_506 = arith.constant 0 : i32
        %dma_wait3A_507 = tpu.memref_slice %arg6[%run_scoped3A_404, %dma_wait3A_505, %dma_wait3A_506] : memref<8x128x32xf32, #tpu.memory_space<vmem>> -> memref<1x128x32xf32, #tpu.memory_space<vmem>>
        %dma_wait3A_508 = tpu.memref_squeeze %dma_wait3A_507 : memref<1x128x32xf32, #tpu.memory_space<vmem>> -> memref<128x32xf32, #tpu.memory_space<vmem>>
        tpu.wait_dma2 semaphore(%run_scoped3A_484 : memref<!tpu.dma_semaphore, #tpu.memory_space<semaphore_mem>>) src(%dma_wait3A_508 : memref<128x32xf32, #tpu.memory_space<vmem>>) dst(%dma_wait3A_504 : memref<128x32xf32, #tpu.memory_space<hbm>>)
        tpu.yield
      }) : () -> ()
      %add3A_405 = arith.constant 5 : i32
      %add3A_406 = arith.addi %mul3A_227, %add3A_405 : i32
      %add3A_407 = arith.constant 8 : i32
      %add3A_408 = arith.addi %add3A_406, %add3A_407 : i32
      %dma_start3A_409 = arith.constant 5 : i32
      %dma_start3A_410 = arith.constant 0 : i32
      %dma_start3A_411 = arith.constant 0 : i32
      %dma_start3A_412 = tpu.memref_slice %arg6[%dma_start3A_409, %dma_start3A_410, %dma_start3A_411] : memref<8x128x32xf32, #tpu.memory_space<vmem>> -> memref<1x128x32xf32, #tpu.memory_space<vmem>>
      %dma_start3A_413 = tpu.memref_squeeze %dma_start3A_412 : memref<1x128x32xf32, #tpu.memory_space<vmem>> -> memref<128x32xf32, #tpu.memory_space<vmem>>
      %dma_start3A_414 = arith.constant 0 : i32
      %dma_start3A_415 = tpu.memref_slice %arg5[%add3A_408, %dma_start3A_414] : memref<200x128xi32, #tpu.memory_space<vmem>> -> memref<1x128xi32, #tpu.memory_space<vmem>>
      %dma_start3A_416 = tpu.memref_squeeze %dma_start3A_415 : memref<1x128xi32, #tpu.memory_space<vmem>> -> memref<128xi32, #tpu.memory_space<vmem>>
      %dma_start3A_417 = arith.constant 0 : i32
      %dma_start3A_418 = arith.constant 0 : i32
      %dma_start3A_419 = tpu.memref_slice %arg3[%dma_start3A_417, %dma_start3A_418] : memref<1000000x32xf32, #tpu.memory_space<hbm>> -> memref<1000000x32xf32, #tpu.memory_space<hbm>>
      tpu.enqueue_indirect_dma source(%dma_start3A_419 : memref<1000000x32xf32, #tpu.memory_space<hbm>>) target(%dma_start3A_413 : memref<128x32xf32, #tpu.memory_space<vmem>>) offsets(%dma_start3A_416 : memref<128xi32, #tpu.memory_space<vmem>>) semaphore(%arg12 : memref<!tpu.dma_semaphore, #tpu.memory_space<semaphore_mem>>)
      %add3A_420 = arith.constant 6 : i32
      %add3A_421 = arith.addi %mul3A_227, %add3A_420 : i32
      %dma_wait3A_422 = arith.constant 6 : i32
      %dma_wait3A_423 = arith.constant 0 : i32
      %dma_wait3A_424 = arith.constant 0 : i32
      %dma_wait3A_425 = tpu.memref_slice %arg6[%dma_wait3A_422, %dma_wait3A_423, %dma_wait3A_424] : memref<8x128x32xf32, #tpu.memory_space<vmem>> -> memref<1x128x32xf32, #tpu.memory_space<vmem>>
      %dma_wait3A_426 = tpu.memref_squeeze %dma_wait3A_425 : memref<1x128x32xf32, #tpu.memory_space<vmem>> -> memref<128x32xf32, #tpu.memory_space<vmem>>
      %dma_wait3A_427 = arith.constant 0 : i32
      %dma_wait3A_428 = tpu.memref_slice %arg5[%add3A_421, %dma_wait3A_427] : memref<200x128xi32, #tpu.memory_space<vmem>> -> memref<1x128xi32, #tpu.memory_space<vmem>>
      %dma_wait3A_429 = tpu.memref_squeeze %dma_wait3A_428 : memref<1x128xi32, #tpu.memory_space<vmem>> -> memref<128xi32, #tpu.memory_space<vmem>>
      %dma_wait3A_430 = arith.constant 0 : i32
      %dma_wait3A_431 = arith.constant 0 : i32
      %dma_wait3A_432 = tpu.memref_slice %arg3[%dma_wait3A_430, %dma_wait3A_431] : memref<1000000x32xf32, #tpu.memory_space<hbm>> -> memref<1000000x32xf32, #tpu.memory_space<hbm>>
      tpu.wait_indirect_dma semaphore(%arg13 : memref<!tpu.dma_semaphore, #tpu.memory_space<semaphore_mem>>) src(%dma_wait3A_432 : memref<1000000x32xf32, #tpu.memory_space<hbm>>) dst(%dma_wait3A_426 : memref<128x32xf32, #tpu.memory_space<vmem>>)
      %mul3A_433 = arith.constant 128 : i32
      %mul3A_434 = arith.muli %add3A_421, %mul3A_433 : i32
      %add3A_435 = arith.addi %mul3A_6, %mul3A_434 : i32
      %run_scoped3A_436 = arith.constant 6 : i32
      "tpu.region"() ({
        %run_scoped3A_484 = tpu.sem_alloc : memref<!tpu.dma_semaphore, #tpu.memory_space<semaphore_mem>>
        %dma_start3A_485 = arith.constant 0 : i32
        %dma_start3A_486 = arith.constant 0 : i32
        %dma_start3A_487 = tpu.memref_slice %arg6[%run_scoped3A_436, %dma_start3A_485, %dma_start3A_486] : memref<8x128x32xf32, #tpu.memory_space<vmem>> -> memref<1x128x32xf32, #tpu.memory_space<vmem>>
        %dma_start3A_488 = tpu.memref_squeeze %dma_start3A_487 : memref<1x128x32xf32, #tpu.memory_space<vmem>> -> memref<128x32xf32, #tpu.memory_space<vmem>>
        %dma_start3A_489 = arith.constant 0 : i32
        %dma_start3A_490 = tpu.memref_slice %arg4[%add3A_435, %dma_start3A_489] : memref<819200x32xf32, #tpu.memory_space<hbm>> -> memref<128x32xf32, #tpu.memory_space<hbm>>
        %dma_start3A_491 = arith.constant 0 : i32
        %dma_start3A_492 = tpu.memref_slice %arg4[%add3A_435, %dma_start3A_491] : memref<819200x32xf32, #tpu.memory_space<hbm>> -> memref<128x32xf32, #tpu.memory_space<hbm>>
        %dma_start3A_493 = arith.constant 0 : i32
        %dma_start3A_494 = arith.constant 0 : i32
        %dma_start3A_495 = tpu.memref_slice %arg6[%run_scoped3A_436, %dma_start3A_493, %dma_start3A_494] : memref<8x128x32xf32, #tpu.memory_space<vmem>> -> memref<1x128x32xf32, #tpu.memory_space<vmem>>
        %dma_start3A_496 = tpu.memref_squeeze %dma_start3A_495 : memref<1x128x32xf32, #tpu.memory_space<vmem>> -> memref<128x32xf32, #tpu.memory_space<vmem>>
        tpu.enqueue_dma source(%dma_start3A_496 : memref<128x32xf32, #tpu.memory_space<vmem>>) target(%dma_start3A_492 : memref<128x32xf32, #tpu.memory_space<hbm>>) target_semaphore(%run_scoped3A_484 : memref<!tpu.dma_semaphore, #tpu.memory_space<semaphore_mem>>)
        %dma_wait3A_497 = arith.constant 0 : i32
        %dma_wait3A_498 = arith.constant 0 : i32
        %dma_wait3A_499 = tpu.memref_slice %arg6[%run_scoped3A_436, %dma_wait3A_497, %dma_wait3A_498] : memref<8x128x32xf32, #tpu.memory_space<vmem>> -> memref<1x128x32xf32, #tpu.memory_space<vmem>>
        %dma_wait3A_500 = tpu.memref_squeeze %dma_wait3A_499 : memref<1x128x32xf32, #tpu.memory_space<vmem>> -> memref<128x32xf32, #tpu.memory_space<vmem>>
        %dma_wait3A_501 = arith.constant 0 : i32
        %dma_wait3A_502 = tpu.memref_slice %arg4[%add3A_435, %dma_wait3A_501] : memref<819200x32xf32, #tpu.memory_space<hbm>> -> memref<128x32xf32, #tpu.memory_space<hbm>>
        %dma_wait3A_503 = arith.constant 0 : i32
        %dma_wait3A_504 = tpu.memref_slice %arg4[%add3A_435, %dma_wait3A_503] : memref<819200x32xf32, #tpu.memory_space<hbm>> -> memref<128x32xf32, #tpu.memory_space<hbm>>
        %dma_wait3A_505 = arith.constant 0 : i32
        %dma_wait3A_506 = arith.constant 0 : i32
        %dma_wait3A_507 = tpu.memref_slice %arg6[%run_scoped3A_436, %dma_wait3A_505, %dma_wait3A_506] : memref<8x128x32xf32, #tpu.memory_space<vmem>> -> memref<1x128x32xf32, #tpu.memory_space<vmem>>
        %dma_wait3A_508 = tpu.memref_squeeze %dma_wait3A_507 : memref<1x128x32xf32, #tpu.memory_space<vmem>> -> memref<128x32xf32, #tpu.memory_space<vmem>>
        tpu.wait_dma2 semaphore(%run_scoped3A_484 : memref<!tpu.dma_semaphore, #tpu.memory_space<semaphore_mem>>) src(%dma_wait3A_508 : memref<128x32xf32, #tpu.memory_space<vmem>>) dst(%dma_wait3A_504 : memref<128x32xf32, #tpu.memory_space<hbm>>)
        tpu.yield
      }) : () -> ()
      %add3A_437 = arith.constant 6 : i32
      %add3A_438 = arith.addi %mul3A_227, %add3A_437 : i32
      %add3A_439 = arith.constant 8 : i32
      %add3A_440 = arith.addi %add3A_438, %add3A_439 : i32
      %dma_start3A_441 = arith.constant 6 : i32
      %dma_start3A_442 = arith.constant 0 : i32
      %dma_start3A_443 = arith.constant 0 : i32
      %dma_start3A_444 = tpu.memref_slice %arg6[%dma_start3A_441, %dma_start3A_442, %dma_start3A_443] : memref<8x128x32xf32, #tpu.memory_space<vmem>> -> memref<1x128x32xf32, #tpu.memory_space<vmem>>
      %dma_start3A_445 = tpu.memref_squeeze %dma_start3A_444 : memref<1x128x32xf32, #tpu.memory_space<vmem>> -> memref<128x32xf32, #tpu.memory_space<vmem>>
      %dma_start3A_446 = arith.constant 0 : i32
      %dma_start3A_447 = tpu.memref_slice %arg5[%add3A_440, %dma_start3A_446] : memref<200x128xi32, #tpu.memory_space<vmem>> -> memref<1x128xi32, #tpu.memory_space<vmem>>
      %dma_start3A_448 = tpu.memref_squeeze %dma_start3A_447 : memref<1x128xi32, #tpu.memory_space<vmem>> -> memref<128xi32, #tpu.memory_space<vmem>>
      %dma_start3A_449 = arith.constant 0 : i32
      %dma_start3A_450 = arith.constant 0 : i32
      %dma_start3A_451 = tpu.memref_slice %arg3[%dma_start3A_449, %dma_start3A_450] : memref<1000000x32xf32, #tpu.memory_space<hbm>> -> memref<1000000x32xf32, #tpu.memory_space<hbm>>
      tpu.enqueue_indirect_dma source(%dma_start3A_451 : memref<1000000x32xf32, #tpu.memory_space<hbm>>) target(%dma_start3A_445 : memref<128x32xf32, #tpu.memory_space<vmem>>) offsets(%dma_start3A_448 : memref<128xi32, #tpu.memory_space<vmem>>) semaphore(%arg13 : memref<!tpu.dma_semaphore, #tpu.memory_space<semaphore_mem>>)
      %add3A_452 = arith.constant 7 : i32
      %add3A_453 = arith.addi %mul3A_227, %add3A_452 : i32
      %dma_wait3A_454 = arith.constant 7 : i32
      %dma_wait3A_455 = arith.constant 0 : i32
      %dma_wait3A_456 = arith.constant 0 : i32
      %dma_wait3A_457 = tpu.memref_slice %arg6[%dma_wait3A_454, %dma_wait3A_455, %dma_wait3A_456] : memref<8x128x32xf32, #tpu.memory_space<vmem>> -> memref<1x128x32xf32, #tpu.memory_space<vmem>>
      %dma_wait3A_458 = tpu.memref_squeeze %dma_wait3A_457 : memref<1x128x32xf32, #tpu.memory_space<vmem>> -> memref<128x32xf32, #tpu.memory_space<vmem>>
      %dma_wait3A_459 = arith.constant 0 : i32
      %dma_wait3A_460 = tpu.memref_slice %arg5[%add3A_453, %dma_wait3A_459] : memref<200x128xi32, #tpu.memory_space<vmem>> -> memref<1x128xi32, #tpu.memory_space<vmem>>
      %dma_wait3A_461 = tpu.memref_squeeze %dma_wait3A_460 : memref<1x128xi32, #tpu.memory_space<vmem>> -> memref<128xi32, #tpu.memory_space<vmem>>
      %dma_wait3A_462 = arith.constant 0 : i32
      %dma_wait3A_463 = arith.constant 0 : i32
      %dma_wait3A_464 = tpu.memref_slice %arg3[%dma_wait3A_462, %dma_wait3A_463] : memref<1000000x32xf32, #tpu.memory_space<hbm>> -> memref<1000000x32xf32, #tpu.memory_space<hbm>>
      tpu.wait_indirect_dma semaphore(%arg14 : memref<!tpu.dma_semaphore, #tpu.memory_space<semaphore_mem>>) src(%dma_wait3A_464 : memref<1000000x32xf32, #tpu.memory_space<hbm>>) dst(%dma_wait3A_458 : memref<128x32xf32, #tpu.memory_space<vmem>>)
      %mul3A_465 = arith.constant 128 : i32
      %mul3A_466 = arith.muli %add3A_453, %mul3A_465 : i32
      %add3A_467 = arith.addi %mul3A_6, %mul3A_466 : i32
      %run_scoped3A_468 = arith.constant 7 : i32
      "tpu.region"() ({
        %run_scoped3A_484 = tpu.sem_alloc : memref<!tpu.dma_semaphore, #tpu.memory_space<semaphore_mem>>
        %dma_start3A_485 = arith.constant 0 : i32
        %dma_start3A_486 = arith.constant 0 : i32
        %dma_start3A_487 = tpu.memref_slice %arg6[%run_scoped3A_468, %dma_start3A_485, %dma_start3A_486] : memref<8x128x32xf32, #tpu.memory_space<vmem>> -> memref<1x128x32xf32, #tpu.memory_space<vmem>>
        %dma_start3A_488 = tpu.memref_squeeze %dma_start3A_487 : memref<1x128x32xf32, #tpu.memory_space<vmem>> -> memref<128x32xf32, #tpu.memory_space<vmem>>
        %dma_start3A_489 = arith.constant 0 : i32
        %dma_start3A_490 = tpu.memref_slice %arg4[%add3A_467, %dma_start3A_489] : memref<819200x32xf32, #tpu.memory_space<hbm>> -> memref<128x32xf32, #tpu.memory_space<hbm>>
        %dma_start3A_491 = arith.constant 0 : i32
        %dma_start3A_492 = tpu.memref_slice %arg4[%add3A_467, %dma_start3A_491] : memref<819200x32xf32, #tpu.memory_space<hbm>> -> memref<128x32xf32, #tpu.memory_space<hbm>>
        %dma_start3A_493 = arith.constant 0 : i32
        %dma_start3A_494 = arith.constant 0 : i32
        %dma_start3A_495 = tpu.memref_slice %arg6[%run_scoped3A_468, %dma_start3A_493, %dma_start3A_494] : memref<8x128x32xf32, #tpu.memory_space<vmem>> -> memref<1x128x32xf32, #tpu.memory_space<vmem>>
        %dma_start3A_496 = tpu.memref_squeeze %dma_start3A_495 : memref<1x128x32xf32, #tpu.memory_space<vmem>> -> memref<128x32xf32, #tpu.memory_space<vmem>>
        tpu.enqueue_dma source(%dma_start3A_496 : memref<128x32xf32, #tpu.memory_space<vmem>>) target(%dma_start3A_492 : memref<128x32xf32, #tpu.memory_space<hbm>>) target_semaphore(%run_scoped3A_484 : memref<!tpu.dma_semaphore, #tpu.memory_space<semaphore_mem>>)
        %dma_wait3A_497 = arith.constant 0 : i32
        %dma_wait3A_498 = arith.constant 0 : i32
        %dma_wait3A_499 = tpu.memref_slice %arg6[%run_scoped3A_468, %dma_wait3A_497, %dma_wait3A_498] : memref<8x128x32xf32, #tpu.memory_space<vmem>> -> memref<1x128x32xf32, #tpu.memory_space<vmem>>
        %dma_wait3A_500 = tpu.memref_squeeze %dma_wait3A_499 : memref<1x128x32xf32, #tpu.memory_space<vmem>> -> memref<128x32xf32, #tpu.memory_space<vmem>>
        %dma_wait3A_501 = arith.constant 0 : i32
        %dma_wait3A_502 = tpu.memref_slice %arg4[%add3A_467, %dma_wait3A_501] : memref<819200x32xf32, #tpu.memory_space<hbm>> -> memref<128x32xf32, #tpu.memory_space<hbm>>
        %dma_wait3A_503 = arith.constant 0 : i32
        %dma_wait3A_504 = tpu.memref_slice %arg4[%add3A_467, %dma_wait3A_503] : memref<819200x32xf32, #tpu.memory_space<hbm>> -> memref<128x32xf32, #tpu.memory_space<hbm>>
        %dma_wait3A_505 = arith.constant 0 : i32
        %dma_wait3A_506 = arith.constant 0 : i32
        %dma_wait3A_507 = tpu.memref_slice %arg6[%run_scoped3A_468, %dma_wait3A_505, %dma_wait3A_506] : memref<8x128x32xf32, #tpu.memory_space<vmem>> -> memref<1x128x32xf32, #tpu.memory_space<vmem>>
        %dma_wait3A_508 = tpu.memref_squeeze %dma_wait3A_507 : memref<1x128x32xf32, #tpu.memory_space<vmem>> -> memref<128x32xf32, #tpu.memory_space<vmem>>
        tpu.wait_dma2 semaphore(%run_scoped3A_484 : memref<!tpu.dma_semaphore, #tpu.memory_space<semaphore_mem>>) src(%dma_wait3A_508 : memref<128x32xf32, #tpu.memory_space<vmem>>) dst(%dma_wait3A_504 : memref<128x32xf32, #tpu.memory_space<hbm>>)
        tpu.yield
      }) : () -> ()
      %add3A_469 = arith.constant 7 : i32
      %add3A_470 = arith.addi %mul3A_227, %add3A_469 : i32
      %add3A_471 = arith.constant 8 : i32
      %add3A_472 = arith.addi %add3A_470, %add3A_471 : i32
      %dma_start3A_473 = arith.constant 7 : i32
      %dma_start3A_474 = arith.constant 0 : i32
      %dma_start3A_475 = arith.constant 0 : i32
      %dma_start3A_476 = tpu.memref_slice %arg6[%dma_start3A_473, %dma_start3A_474, %dma_start3A_475] : memref<8x128x32xf32, #tpu.memory_space<vmem>> -> memref<1x128x32xf32, #tpu.memory_space<vmem>>
      %dma_start3A_477 = tpu.memref_squeeze %dma_start3A_476 : memref<1x128x32xf32, #tpu.memory_space<vmem>> -> memref<128x32xf32, #tpu.memory_space<vmem>>
      %dma_start3A_478 = arith.constant 0 : i32
      %dma_start3A_479 = tpu.memref_slice %arg5[%add3A_472, %dma_start3A_478] : memref<200x128xi32, #tpu.memory_space<vmem>> -> memref<1x128xi32, #tpu.memory_space<vmem>>
      %dma_start3A_480 = tpu.memref_squeeze %dma_start3A_479 : memref<1x128xi32, #tpu.memory_space<vmem>> -> memref<128xi32, #tpu.memory_space<vmem>>
      %dma_start3A_481 = arith.constant 0 : i32
      %dma_start3A_482 = arith.constant 0 : i32
      %dma_start3A_483 = tpu.memref_slice %arg3[%dma_start3A_481, %dma_start3A_482] : memref<1000000x32xf32, #tpu.memory_space<hbm>> -> memref<1000000x32xf32, #tpu.memory_space<hbm>>
      tpu.enqueue_indirect_dma source(%dma_start3A_483 : memref<1000000x32xf32, #tpu.memory_space<hbm>>) target(%dma_start3A_477 : memref<128x32xf32, #tpu.memory_space<vmem>>) offsets(%dma_start3A_480 : memref<128xi32, #tpu.memory_space<vmem>>) semaphore(%arg14 : memref<!tpu.dma_semaphore, #tpu.memory_space<semaphore_mem>>)
    }
    %scan3A_106 = arith.constant 24 : i32
    %dma_wait3A = arith.constant 192 : i32
    %dma_wait3A_107 = arith.constant 0 : i32
    %dma_wait3A_108 = arith.constant 0 : i32
    %dma_wait3A_109 = arith.constant 0 : i32
    %dma_wait3A_110 = tpu.memref_slice %arg6[%dma_wait3A_107, %dma_wait3A_108, %dma_wait3A_109] : memref<8x128x32xf32, #tpu.memory_space<vmem>> -> memref<1x128x32xf32, #tpu.memory_space<vmem>>
    %dma_wait3A_111 = tpu.memref_squeeze %dma_wait3A_110 : memref<1x128x32xf32, #tpu.memory_space<vmem>> -> memref<128x32xf32, #tpu.memory_space<vmem>>
    %dma_wait3A_112 = arith.constant 0 : i32
    %dma_wait3A_113 = tpu.memref_slice %arg5[%dma_wait3A, %dma_wait3A_112] : memref<200x128xi32, #tpu.memory_space<vmem>> -> memref<1x128xi32, #tpu.memory_space<vmem>>
    %dma_wait3A_114 = tpu.memref_squeeze %dma_wait3A_113 : memref<1x128xi32, #tpu.memory_space<vmem>> -> memref<128xi32, #tpu.memory_space<vmem>>
    %dma_wait3A_115 = arith.constant 0 : i32
    %dma_wait3A_116 = arith.constant 0 : i32
    %dma_wait3A_117 = tpu.memref_slice %arg3[%dma_wait3A_115, %dma_wait3A_116] : memref<1000000x32xf32, #tpu.memory_space<hbm>> -> memref<1000000x32xf32, #tpu.memory_space<hbm>>
    tpu.wait_indirect_dma semaphore(%arg7 : memref<!tpu.dma_semaphore, #tpu.memory_space<semaphore_mem>>) src(%dma_wait3A_117 : memref<1000000x32xf32, #tpu.memory_space<hbm>>) dst(%dma_wait3A_111 : memref<128x32xf32, #tpu.memory_space<vmem>>)
    %add3A_118 = arith.constant 24576 : i32
    %add3A_119 = arith.addi %mul3A_6, %add3A_118 : i32
    %run_scoped3A = arith.constant 0 : i32
    "tpu.region"() ({
      %run_scoped3A_225 = tpu.sem_alloc : memref<!tpu.dma_semaphore, #tpu.memory_space<semaphore_mem>>
      %dma_start3A_226 = arith.constant 0 : i32
      %dma_start3A_227 = arith.constant 0 : i32
      %dma_start3A_228 = tpu.memref_slice %arg6[%run_scoped3A, %dma_start3A_226, %dma_start3A_227] : memref<8x128x32xf32, #tpu.memory_space<vmem>> -> memref<1x128x32xf32, #tpu.memory_space<vmem>>
      %dma_start3A_229 = tpu.memref_squeeze %dma_start3A_228 : memref<1x128x32xf32, #tpu.memory_space<vmem>> -> memref<128x32xf32, #tpu.memory_space<vmem>>
      %dma_start3A_230 = arith.constant 0 : i32
      %dma_start3A_231 = tpu.memref_slice %arg4[%add3A_119, %dma_start3A_230] : memref<819200x32xf32, #tpu.memory_space<hbm>> -> memref<128x32xf32, #tpu.memory_space<hbm>>
      %dma_start3A_232 = arith.constant 0 : i32
      %dma_start3A_233 = tpu.memref_slice %arg4[%add3A_119, %dma_start3A_232] : memref<819200x32xf32, #tpu.memory_space<hbm>> -> memref<128x32xf32, #tpu.memory_space<hbm>>
      %dma_start3A_234 = arith.constant 0 : i32
      %dma_start3A_235 = arith.constant 0 : i32
      %dma_start3A_236 = tpu.memref_slice %arg6[%run_scoped3A, %dma_start3A_234, %dma_start3A_235] : memref<8x128x32xf32, #tpu.memory_space<vmem>> -> memref<1x128x32xf32, #tpu.memory_space<vmem>>
      %dma_start3A_237 = tpu.memref_squeeze %dma_start3A_236 : memref<1x128x32xf32, #tpu.memory_space<vmem>> -> memref<128x32xf32, #tpu.memory_space<vmem>>
      tpu.enqueue_dma source(%dma_start3A_237 : memref<128x32xf32, #tpu.memory_space<vmem>>) target(%dma_start3A_233 : memref<128x32xf32, #tpu.memory_space<hbm>>) target_semaphore(%run_scoped3A_225 : memref<!tpu.dma_semaphore, #tpu.memory_space<semaphore_mem>>)
      %dma_wait3A_238 = arith.constant 0 : i32
      %dma_wait3A_239 = arith.constant 0 : i32
      %dma_wait3A_240 = tpu.memref_slice %arg6[%run_scoped3A, %dma_wait3A_238, %dma_wait3A_239] : memref<8x128x32xf32, #tpu.memory_space<vmem>> -> memref<1x128x32xf32, #tpu.memory_space<vmem>>
      %dma_wait3A_241 = tpu.memref_squeeze %dma_wait3A_240 : memref<1x128x32xf32, #tpu.memory_space<vmem>> -> memref<128x32xf32, #tpu.memory_space<vmem>>
      %dma_wait3A_242 = arith.constant 0 : i32
      %dma_wait3A_243 = tpu.memref_slice %arg4[%add3A_119, %dma_wait3A_242] : memref<819200x32xf32, #tpu.memory_space<hbm>> -> memref<128x32xf32, #tpu.memory_space<hbm>>
      %dma_wait3A_244 = arith.constant 0 : i32
      %dma_wait3A_245 = tpu.memref_slice %arg4[%add3A_119, %dma_wait3A_244] : memref<819200x32xf32, #tpu.memory_space<hbm>> -> memref<128x32xf32, #tpu.memory_space<hbm>>
      %dma_wait3A_246 = arith.constant 0 : i32
      %dma_wait3A_247 = arith.constant 0 : i32
      %dma_wait3A_248 = tpu.memref_slice %arg6[%run_scoped3A, %dma_wait3A_246, %dma_wait3A_247] : memref<8x128x32xf32, #tpu.memory_space<vmem>> -> memref<1x128x32xf32, #tpu.memory_space<vmem>>
      %dma_wait3A_249 = tpu.memref_squeeze %dma_wait3A_248 : memref<1x128x32xf32, #tpu.memory_space<vmem>> -> memref<128x32xf32, #tpu.memory_space<vmem>>
      tpu.wait_dma2 semaphore(%run_scoped3A_225 : memref<!tpu.dma_semaphore, #tpu.memory_space<semaphore_mem>>) src(%dma_wait3A_249 : memref<128x32xf32, #tpu.memory_space<vmem>>) dst(%dma_wait3A_245 : memref<128x32xf32, #tpu.memory_space<hbm>>)
      tpu.yield
    }) : () -> ()
    %dma_wait3A_120 = arith.constant 193 : i32
    %dma_wait3A_121 = arith.constant 1 : i32
    %dma_wait3A_122 = arith.constant 0 : i32
    %dma_wait3A_123 = arith.constant 0 : i32
    %dma_wait3A_124 = tpu.memref_slice %arg6[%dma_wait3A_121, %dma_wait3A_122, %dma_wait3A_123] : memref<8x128x32xf32, #tpu.memory_space<vmem>> -> memref<1x128x32xf32, #tpu.memory_space<vmem>>
    %dma_wait3A_125 = tpu.memref_squeeze %dma_wait3A_124 : memref<1x128x32xf32, #tpu.memory_space<vmem>> -> memref<128x32xf32, #tpu.memory_space<vmem>>
    %dma_wait3A_126 = arith.constant 0 : i32
    %dma_wait3A_127 = tpu.memref_slice %arg5[%dma_wait3A_120, %dma_wait3A_126] : memref<200x128xi32, #tpu.memory_space<vmem>> -> memref<1x128xi32, #tpu.memory_space<vmem>>
    %dma_wait3A_128 = tpu.memref_squeeze %dma_wait3A_127 : memref<1x128xi32, #tpu.memory_space<vmem>> -> memref<128xi32, #tpu.memory_space<vmem>>
    %dma_wait3A_129 = arith.constant 0 : i32
    %dma_wait3A_130 = arith.constant 0 : i32
    %dma_wait3A_131 = tpu.memref_slice %arg3[%dma_wait3A_129, %dma_wait3A_130] : memref<1000000x32xf32, #tpu.memory_space<hbm>> -> memref<1000000x32xf32, #tpu.memory_space<hbm>>
    tpu.wait_indirect_dma semaphore(%arg8 : memref<!tpu.dma_semaphore, #tpu.memory_space<semaphore_mem>>) src(%dma_wait3A_131 : memref<1000000x32xf32, #tpu.memory_space<hbm>>) dst(%dma_wait3A_125 : memref<128x32xf32, #tpu.memory_space<vmem>>)
    %add3A_132 = arith.constant 24704 : i32
    %add3A_133 = arith.addi %mul3A_6, %add3A_132 : i32
    %run_scoped3A_134 = arith.constant 1 : i32
    "tpu.region"() ({
      %run_scoped3A_225 = tpu.sem_alloc : memref<!tpu.dma_semaphore, #tpu.memory_space<semaphore_mem>>
      %dma_start3A_226 = arith.constant 0 : i32
      %dma_start3A_227 = arith.constant 0 : i32
      %dma_start3A_228 = tpu.memref_slice %arg6[%run_scoped3A_134, %dma_start3A_226, %dma_start3A_227] : memref<8x128x32xf32, #tpu.memory_space<vmem>> -> memref<1x128x32xf32, #tpu.memory_space<vmem>>
      %dma_start3A_229 = tpu.memref_squeeze %dma_start3A_228 : memref<1x128x32xf32, #tpu.memory_space<vmem>> -> memref<128x32xf32, #tpu.memory_space<vmem>>
      %dma_start3A_230 = arith.constant 0 : i32
      %dma_start3A_231 = tpu.memref_slice %arg4[%add3A_133, %dma_start3A_230] : memref<819200x32xf32, #tpu.memory_space<hbm>> -> memref<128x32xf32, #tpu.memory_space<hbm>>
      %dma_start3A_232 = arith.constant 0 : i32
      %dma_start3A_233 = tpu.memref_slice %arg4[%add3A_133, %dma_start3A_232] : memref<819200x32xf32, #tpu.memory_space<hbm>> -> memref<128x32xf32, #tpu.memory_space<hbm>>
      %dma_start3A_234 = arith.constant 0 : i32
      %dma_start3A_235 = arith.constant 0 : i32
      %dma_start3A_236 = tpu.memref_slice %arg6[%run_scoped3A_134, %dma_start3A_234, %dma_start3A_235] : memref<8x128x32xf32, #tpu.memory_space<vmem>> -> memref<1x128x32xf32, #tpu.memory_space<vmem>>
      %dma_start3A_237 = tpu.memref_squeeze %dma_start3A_236 : memref<1x128x32xf32, #tpu.memory_space<vmem>> -> memref<128x32xf32, #tpu.memory_space<vmem>>
      tpu.enqueue_dma source(%dma_start3A_237 : memref<128x32xf32, #tpu.memory_space<vmem>>) target(%dma_start3A_233 : memref<128x32xf32, #tpu.memory_space<hbm>>) target_semaphore(%run_scoped3A_225 : memref<!tpu.dma_semaphore, #tpu.memory_space<semaphore_mem>>)
      %dma_wait3A_238 = arith.constant 0 : i32
      %dma_wait3A_239 = arith.constant 0 : i32
      %dma_wait3A_240 = tpu.memref_slice %arg6[%run_scoped3A_134, %dma_wait3A_238, %dma_wait3A_239] : memref<8x128x32xf32, #tpu.memory_space<vmem>> -> memref<1x128x32xf32, #tpu.memory_space<vmem>>
      %dma_wait3A_241 = tpu.memref_squeeze %dma_wait3A_240 : memref<1x128x32xf32, #tpu.memory_space<vmem>> -> memref<128x32xf32, #tpu.memory_space<vmem>>
      %dma_wait3A_242 = arith.constant 0 : i32
      %dma_wait3A_243 = tpu.memref_slice %arg4[%add3A_133, %dma_wait3A_242] : memref<819200x32xf32, #tpu.memory_space<hbm>> -> memref<128x32xf32, #tpu.memory_space<hbm>>
      %dma_wait3A_244 = arith.constant 0 : i32
      %dma_wait3A_245 = tpu.memref_slice %arg4[%add3A_133, %dma_wait3A_244] : memref<819200x32xf32, #tpu.memory_space<hbm>> -> memref<128x32xf32, #tpu.memory_space<hbm>>
      %dma_wait3A_246 = arith.constant 0 : i32
      %dma_wait3A_247 = arith.constant 0 : i32
      %dma_wait3A_248 = tpu.memref_slice %arg6[%run_scoped3A_134, %dma_wait3A_246, %dma_wait3A_247] : memref<8x128x32xf32, #tpu.memory_space<vmem>> -> memref<1x128x32xf32, #tpu.memory_space<vmem>>
      %dma_wait3A_249 = tpu.memref_squeeze %dma_wait3A_248 : memref<1x128x32xf32, #tpu.memory_space<vmem>> -> memref<128x32xf32, #tpu.memory_space<vmem>>
      tpu.wait_dma2 semaphore(%run_scoped3A_225 : memref<!tpu.dma_semaphore, #tpu.memory_space<semaphore_mem>>) src(%dma_wait3A_249 : memref<128x32xf32, #tpu.memory_space<vmem>>) dst(%dma_wait3A_245 : memref<128x32xf32, #tpu.memory_space<hbm>>)
      tpu.yield
    }) : () -> ()
    %dma_wait3A_135 = arith.constant 194 : i32
    %dma_wait3A_136 = arith.constant 2 : i32
    %dma_wait3A_137 = arith.constant 0 : i32
    %dma_wait3A_138 = arith.constant 0 : i32
    %dma_wait3A_139 = tpu.memref_slice %arg6[%dma_wait3A_136, %dma_wait3A_137, %dma_wait3A_138] : memref<8x128x32xf32, #tpu.memory_space<vmem>> -> memref<1x128x32xf32, #tpu.memory_space<vmem>>
    %dma_wait3A_140 = tpu.memref_squeeze %dma_wait3A_139 : memref<1x128x32xf32, #tpu.memory_space<vmem>> -> memref<128x32xf32, #tpu.memory_space<vmem>>
    %dma_wait3A_141 = arith.constant 0 : i32
    %dma_wait3A_142 = tpu.memref_slice %arg5[%dma_wait3A_135, %dma_wait3A_141] : memref<200x128xi32, #tpu.memory_space<vmem>> -> memref<1x128xi32, #tpu.memory_space<vmem>>
    %dma_wait3A_143 = tpu.memref_squeeze %dma_wait3A_142 : memref<1x128xi32, #tpu.memory_space<vmem>> -> memref<128xi32, #tpu.memory_space<vmem>>
    %dma_wait3A_144 = arith.constant 0 : i32
    %dma_wait3A_145 = arith.constant 0 : i32
    %dma_wait3A_146 = tpu.memref_slice %arg3[%dma_wait3A_144, %dma_wait3A_145] : memref<1000000x32xf32, #tpu.memory_space<hbm>> -> memref<1000000x32xf32, #tpu.memory_space<hbm>>
    tpu.wait_indirect_dma semaphore(%arg9 : memref<!tpu.dma_semaphore, #tpu.memory_space<semaphore_mem>>) src(%dma_wait3A_146 : memref<1000000x32xf32, #tpu.memory_space<hbm>>) dst(%dma_wait3A_140 : memref<128x32xf32, #tpu.memory_space<vmem>>)
    %add3A_147 = arith.constant 24832 : i32
    %add3A_148 = arith.addi %mul3A_6, %add3A_147 : i32
    %run_scoped3A_149 = arith.constant 2 : i32
    "tpu.region"() ({
      %run_scoped3A_225 = tpu.sem_alloc : memref<!tpu.dma_semaphore, #tpu.memory_space<semaphore_mem>>
      %dma_start3A_226 = arith.constant 0 : i32
      %dma_start3A_227 = arith.constant 0 : i32
      %dma_start3A_228 = tpu.memref_slice %arg6[%run_scoped3A_149, %dma_start3A_226, %dma_start3A_227] : memref<8x128x32xf32, #tpu.memory_space<vmem>> -> memref<1x128x32xf32, #tpu.memory_space<vmem>>
      %dma_start3A_229 = tpu.memref_squeeze %dma_start3A_228 : memref<1x128x32xf32, #tpu.memory_space<vmem>> -> memref<128x32xf32, #tpu.memory_space<vmem>>
      %dma_start3A_230 = arith.constant 0 : i32
      %dma_start3A_231 = tpu.memref_slice %arg4[%add3A_148, %dma_start3A_230] : memref<819200x32xf32, #tpu.memory_space<hbm>> -> memref<128x32xf32, #tpu.memory_space<hbm>>
      %dma_start3A_232 = arith.constant 0 : i32
      %dma_start3A_233 = tpu.memref_slice %arg4[%add3A_148, %dma_start3A_232] : memref<819200x32xf32, #tpu.memory_space<hbm>> -> memref<128x32xf32, #tpu.memory_space<hbm>>
      %dma_start3A_234 = arith.constant 0 : i32
      %dma_start3A_235 = arith.constant 0 : i32
      %dma_start3A_236 = tpu.memref_slice %arg6[%run_scoped3A_149, %dma_start3A_234, %dma_start3A_235] : memref<8x128x32xf32, #tpu.memory_space<vmem>> -> memref<1x128x32xf32, #tpu.memory_space<vmem>>
      %dma_start3A_237 = tpu.memref_squeeze %dma_start3A_236 : memref<1x128x32xf32, #tpu.memory_space<vmem>> -> memref<128x32xf32, #tpu.memory_space<vmem>>
      tpu.enqueue_dma source(%dma_start3A_237 : memref<128x32xf32, #tpu.memory_space<vmem>>) target(%dma_start3A_233 : memref<128x32xf32, #tpu.memory_space<hbm>>) target_semaphore(%run_scoped3A_225 : memref<!tpu.dma_semaphore, #tpu.memory_space<semaphore_mem>>)
      %dma_wait3A_238 = arith.constant 0 : i32
      %dma_wait3A_239 = arith.constant 0 : i32
      %dma_wait3A_240 = tpu.memref_slice %arg6[%run_scoped3A_149, %dma_wait3A_238, %dma_wait3A_239] : memref<8x128x32xf32, #tpu.memory_space<vmem>> -> memref<1x128x32xf32, #tpu.memory_space<vmem>>
      %dma_wait3A_241 = tpu.memref_squeeze %dma_wait3A_240 : memref<1x128x32xf32, #tpu.memory_space<vmem>> -> memref<128x32xf32, #tpu.memory_space<vmem>>
      %dma_wait3A_242 = arith.constant 0 : i32
      %dma_wait3A_243 = tpu.memref_slice %arg4[%add3A_148, %dma_wait3A_242] : memref<819200x32xf32, #tpu.memory_space<hbm>> -> memref<128x32xf32, #tpu.memory_space<hbm>>
      %dma_wait3A_244 = arith.constant 0 : i32
      %dma_wait3A_245 = tpu.memref_slice %arg4[%add3A_148, %dma_wait3A_244] : memref<819200x32xf32, #tpu.memory_space<hbm>> -> memref<128x32xf32, #tpu.memory_space<hbm>>
      %dma_wait3A_246 = arith.constant 0 : i32
      %dma_wait3A_247 = arith.constant 0 : i32
      %dma_wait3A_248 = tpu.memref_slice %arg6[%run_scoped3A_149, %dma_wait3A_246, %dma_wait3A_247] : memref<8x128x32xf32, #tpu.memory_space<vmem>> -> memref<1x128x32xf32, #tpu.memory_space<vmem>>
      %dma_wait3A_249 = tpu.memref_squeeze %dma_wait3A_248 : memref<1x128x32xf32, #tpu.memory_space<vmem>> -> memref<128x32xf32, #tpu.memory_space<vmem>>
      tpu.wait_dma2 semaphore(%run_scoped3A_225 : memref<!tpu.dma_semaphore, #tpu.memory_space<semaphore_mem>>) src(%dma_wait3A_249 : memref<128x32xf32, #tpu.memory_space<vmem>>) dst(%dma_wait3A_245 : memref<128x32xf32, #tpu.memory_space<hbm>>)
      tpu.yield
    }) : () -> ()
    %dma_wait3A_150 = arith.constant 195 : i32
    %dma_wait3A_151 = arith.constant 3 : i32
    %dma_wait3A_152 = arith.constant 0 : i32
    %dma_wait3A_153 = arith.constant 0 : i32
    %dma_wait3A_154 = tpu.memref_slice %arg6[%dma_wait3A_151, %dma_wait3A_152, %dma_wait3A_153] : memref<8x128x32xf32, #tpu.memory_space<vmem>> -> memref<1x128x32xf32, #tpu.memory_space<vmem>>
    %dma_wait3A_155 = tpu.memref_squeeze %dma_wait3A_154 : memref<1x128x32xf32, #tpu.memory_space<vmem>> -> memref<128x32xf32, #tpu.memory_space<vmem>>
    %dma_wait3A_156 = arith.constant 0 : i32
    %dma_wait3A_157 = tpu.memref_slice %arg5[%dma_wait3A_150, %dma_wait3A_156] : memref<200x128xi32, #tpu.memory_space<vmem>> -> memref<1x128xi32, #tpu.memory_space<vmem>>
    %dma_wait3A_158 = tpu.memref_squeeze %dma_wait3A_157 : memref<1x128xi32, #tpu.memory_space<vmem>> -> memref<128xi32, #tpu.memory_space<vmem>>
    %dma_wait3A_159 = arith.constant 0 : i32
    %dma_wait3A_160 = arith.constant 0 : i32
    %dma_wait3A_161 = tpu.memref_slice %arg3[%dma_wait3A_159, %dma_wait3A_160] : memref<1000000x32xf32, #tpu.memory_space<hbm>> -> memref<1000000x32xf32, #tpu.memory_space<hbm>>
    tpu.wait_indirect_dma semaphore(%arg10 : memref<!tpu.dma_semaphore, #tpu.memory_space<semaphore_mem>>) src(%dma_wait3A_161 : memref<1000000x32xf32, #tpu.memory_space<hbm>>) dst(%dma_wait3A_155 : memref<128x32xf32, #tpu.memory_space<vmem>>)
    %add3A_162 = arith.constant 24960 : i32
    %add3A_163 = arith.addi %mul3A_6, %add3A_162 : i32
    %run_scoped3A_164 = arith.constant 3 : i32
    "tpu.region"() ({
      %run_scoped3A_225 = tpu.sem_alloc : memref<!tpu.dma_semaphore, #tpu.memory_space<semaphore_mem>>
      %dma_start3A_226 = arith.constant 0 : i32
      %dma_start3A_227 = arith.constant 0 : i32
      %dma_start3A_228 = tpu.memref_slice %arg6[%run_scoped3A_164, %dma_start3A_226, %dma_start3A_227] : memref<8x128x32xf32, #tpu.memory_space<vmem>> -> memref<1x128x32xf32, #tpu.memory_space<vmem>>
      %dma_start3A_229 = tpu.memref_squeeze %dma_start3A_228 : memref<1x128x32xf32, #tpu.memory_space<vmem>> -> memref<128x32xf32, #tpu.memory_space<vmem>>
      %dma_start3A_230 = arith.constant 0 : i32
      %dma_start3A_231 = tpu.memref_slice %arg4[%add3A_163, %dma_start3A_230] : memref<819200x32xf32, #tpu.memory_space<hbm>> -> memref<128x32xf32, #tpu.memory_space<hbm>>
      %dma_start3A_232 = arith.constant 0 : i32
      %dma_start3A_233 = tpu.memref_slice %arg4[%add3A_163, %dma_start3A_232] : memref<819200x32xf32, #tpu.memory_space<hbm>> -> memref<128x32xf32, #tpu.memory_space<hbm>>
      %dma_start3A_234 = arith.constant 0 : i32
      %dma_start3A_235 = arith.constant 0 : i32
      %dma_start3A_236 = tpu.memref_slice %arg6[%run_scoped3A_164, %dma_start3A_234, %dma_start3A_235] : memref<8x128x32xf32, #tpu.memory_space<vmem>> -> memref<1x128x32xf32, #tpu.memory_space<vmem>>
      %dma_start3A_237 = tpu.memref_squeeze %dma_start3A_236 : memref<1x128x32xf32, #tpu.memory_space<vmem>> -> memref<128x32xf32, #tpu.memory_space<vmem>>
      tpu.enqueue_dma source(%dma_start3A_237 : memref<128x32xf32, #tpu.memory_space<vmem>>) target(%dma_start3A_233 : memref<128x32xf32, #tpu.memory_space<hbm>>) target_semaphore(%run_scoped3A_225 : memref<!tpu.dma_semaphore, #tpu.memory_space<semaphore_mem>>)
      %dma_wait3A_238 = arith.constant 0 : i32
      %dma_wait3A_239 = arith.constant 0 : i32
      %dma_wait3A_240 = tpu.memref_slice %arg6[%run_scoped3A_164, %dma_wait3A_238, %dma_wait3A_239] : memref<8x128x32xf32, #tpu.memory_space<vmem>> -> memref<1x128x32xf32, #tpu.memory_space<vmem>>
      %dma_wait3A_241 = tpu.memref_squeeze %dma_wait3A_240 : memref<1x128x32xf32, #tpu.memory_space<vmem>> -> memref<128x32xf32, #tpu.memory_space<vmem>>
      %dma_wait3A_242 = arith.constant 0 : i32
      %dma_wait3A_243 = tpu.memref_slice %arg4[%add3A_163, %dma_wait3A_242] : memref<819200x32xf32, #tpu.memory_space<hbm>> -> memref<128x32xf32, #tpu.memory_space<hbm>>
      %dma_wait3A_244 = arith.constant 0 : i32
      %dma_wait3A_245 = tpu.memref_slice %arg4[%add3A_163, %dma_wait3A_244] : memref<819200x32xf32, #tpu.memory_space<hbm>> -> memref<128x32xf32, #tpu.memory_space<hbm>>
      %dma_wait3A_246 = arith.constant 0 : i32
      %dma_wait3A_247 = arith.constant 0 : i32
      %dma_wait3A_248 = tpu.memref_slice %arg6[%run_scoped3A_164, %dma_wait3A_246, %dma_wait3A_247] : memref<8x128x32xf32, #tpu.memory_space<vmem>> -> memref<1x128x32xf32, #tpu.memory_space<vmem>>
      %dma_wait3A_249 = tpu.memref_squeeze %dma_wait3A_248 : memref<1x128x32xf32, #tpu.memory_space<vmem>> -> memref<128x32xf32, #tpu.memory_space<vmem>>
      tpu.wait_dma2 semaphore(%run_scoped3A_225 : memref<!tpu.dma_semaphore, #tpu.memory_space<semaphore_mem>>) src(%dma_wait3A_249 : memref<128x32xf32, #tpu.memory_space<vmem>>) dst(%dma_wait3A_245 : memref<128x32xf32, #tpu.memory_space<hbm>>)
      tpu.yield
    }) : () -> ()
    %dma_wait3A_165 = arith.constant 196 : i32
    %dma_wait3A_166 = arith.constant 4 : i32
    %dma_wait3A_167 = arith.constant 0 : i32
    %dma_wait3A_168 = arith.constant 0 : i32
    %dma_wait3A_169 = tpu.memref_slice %arg6[%dma_wait3A_166, %dma_wait3A_167, %dma_wait3A_168] : memref<8x128x32xf32, #tpu.memory_space<vmem>> -> memref<1x128x32xf32, #tpu.memory_space<vmem>>
    %dma_wait3A_170 = tpu.memref_squeeze %dma_wait3A_169 : memref<1x128x32xf32, #tpu.memory_space<vmem>> -> memref<128x32xf32, #tpu.memory_space<vmem>>
    %dma_wait3A_171 = arith.constant 0 : i32
    %dma_wait3A_172 = tpu.memref_slice %arg5[%dma_wait3A_165, %dma_wait3A_171] : memref<200x128xi32, #tpu.memory_space<vmem>> -> memref<1x128xi32, #tpu.memory_space<vmem>>
    %dma_wait3A_173 = tpu.memref_squeeze %dma_wait3A_172 : memref<1x128xi32, #tpu.memory_space<vmem>> -> memref<128xi32, #tpu.memory_space<vmem>>
    %dma_wait3A_174 = arith.constant 0 : i32
    %dma_wait3A_175 = arith.constant 0 : i32
    %dma_wait3A_176 = tpu.memref_slice %arg3[%dma_wait3A_174, %dma_wait3A_175] : memref<1000000x32xf32, #tpu.memory_space<hbm>> -> memref<1000000x32xf32, #tpu.memory_space<hbm>>
    tpu.wait_indirect_dma semaphore(%arg11 : memref<!tpu.dma_semaphore, #tpu.memory_space<semaphore_mem>>) src(%dma_wait3A_176 : memref<1000000x32xf32, #tpu.memory_space<hbm>>) dst(%dma_wait3A_170 : memref<128x32xf32, #tpu.memory_space<vmem>>)
    %add3A_177 = arith.constant 25088 : i32
    %add3A_178 = arith.addi %mul3A_6, %add3A_177 : i32
    %run_scoped3A_179 = arith.constant 4 : i32
    "tpu.region"() ({
      %run_scoped3A_225 = tpu.sem_alloc : memref<!tpu.dma_semaphore, #tpu.memory_space<semaphore_mem>>
      %dma_start3A_226 = arith.constant 0 : i32
      %dma_start3A_227 = arith.constant 0 : i32
      %dma_start3A_228 = tpu.memref_slice %arg6[%run_scoped3A_179, %dma_start3A_226, %dma_start3A_227] : memref<8x128x32xf32, #tpu.memory_space<vmem>> -> memref<1x128x32xf32, #tpu.memory_space<vmem>>
      %dma_start3A_229 = tpu.memref_squeeze %dma_start3A_228 : memref<1x128x32xf32, #tpu.memory_space<vmem>> -> memref<128x32xf32, #tpu.memory_space<vmem>>
      %dma_start3A_230 = arith.constant 0 : i32
      %dma_start3A_231 = tpu.memref_slice %arg4[%add3A_178, %dma_start3A_230] : memref<819200x32xf32, #tpu.memory_space<hbm>> -> memref<128x32xf32, #tpu.memory_space<hbm>>
      %dma_start3A_232 = arith.constant 0 : i32
      %dma_start3A_233 = tpu.memref_slice %arg4[%add3A_178, %dma_start3A_232] : memref<819200x32xf32, #tpu.memory_space<hbm>> -> memref<128x32xf32, #tpu.memory_space<hbm>>
      %dma_start3A_234 = arith.constant 0 : i32
      %dma_start3A_235 = arith.constant 0 : i32
      %dma_start3A_236 = tpu.memref_slice %arg6[%run_scoped3A_179, %dma_start3A_234, %dma_start3A_235] : memref<8x128x32xf32, #tpu.memory_space<vmem>> -> memref<1x128x32xf32, #tpu.memory_space<vmem>>
      %dma_start3A_237 = tpu.memref_squeeze %dma_start3A_236 : memref<1x128x32xf32, #tpu.memory_space<vmem>> -> memref<128x32xf32, #tpu.memory_space<vmem>>
      tpu.enqueue_dma source(%dma_start3A_237 : memref<128x32xf32, #tpu.memory_space<vmem>>) target(%dma_start3A_233 : memref<128x32xf32, #tpu.memory_space<hbm>>) target_semaphore(%run_scoped3A_225 : memref<!tpu.dma_semaphore, #tpu.memory_space<semaphore_mem>>)
      %dma_wait3A_238 = arith.constant 0 : i32
      %dma_wait3A_239 = arith.constant 0 : i32
      %dma_wait3A_240 = tpu.memref_slice %arg6[%run_scoped3A_179, %dma_wait3A_238, %dma_wait3A_239] : memref<8x128x32xf32, #tpu.memory_space<vmem>> -> memref<1x128x32xf32, #tpu.memory_space<vmem>>
      %dma_wait3A_241 = tpu.memref_squeeze %dma_wait3A_240 : memref<1x128x32xf32, #tpu.memory_space<vmem>> -> memref<128x32xf32, #tpu.memory_space<vmem>>
      %dma_wait3A_242 = arith.constant 0 : i32
      %dma_wait3A_243 = tpu.memref_slice %arg4[%add3A_178, %dma_wait3A_242] : memref<819200x32xf32, #tpu.memory_space<hbm>> -> memref<128x32xf32, #tpu.memory_space<hbm>>
      %dma_wait3A_244 = arith.constant 0 : i32
      %dma_wait3A_245 = tpu.memref_slice %arg4[%add3A_178, %dma_wait3A_244] : memref<819200x32xf32, #tpu.memory_space<hbm>> -> memref<128x32xf32, #tpu.memory_space<hbm>>
      %dma_wait3A_246 = arith.constant 0 : i32
      %dma_wait3A_247 = arith.constant 0 : i32
      %dma_wait3A_248 = tpu.memref_slice %arg6[%run_scoped3A_179, %dma_wait3A_246, %dma_wait3A_247] : memref<8x128x32xf32, #tpu.memory_space<vmem>> -> memref<1x128x32xf32, #tpu.memory_space<vmem>>
      %dma_wait3A_249 = tpu.memref_squeeze %dma_wait3A_248 : memref<1x128x32xf32, #tpu.memory_space<vmem>> -> memref<128x32xf32, #tpu.memory_space<vmem>>
      tpu.wait_dma2 semaphore(%run_scoped3A_225 : memref<!tpu.dma_semaphore, #tpu.memory_space<semaphore_mem>>) src(%dma_wait3A_249 : memref<128x32xf32, #tpu.memory_space<vmem>>) dst(%dma_wait3A_245 : memref<128x32xf32, #tpu.memory_space<hbm>>)
      tpu.yield
    }) : () -> ()
    %dma_wait3A_180 = arith.constant 197 : i32
    %dma_wait3A_181 = arith.constant 5 : i32
    %dma_wait3A_182 = arith.constant 0 : i32
    %dma_wait3A_183 = arith.constant 0 : i32
    %dma_wait3A_184 = tpu.memref_slice %arg6[%dma_wait3A_181, %dma_wait3A_182, %dma_wait3A_183] : memref<8x128x32xf32, #tpu.memory_space<vmem>> -> memref<1x128x32xf32, #tpu.memory_space<vmem>>
    %dma_wait3A_185 = tpu.memref_squeeze %dma_wait3A_184 : memref<1x128x32xf32, #tpu.memory_space<vmem>> -> memref<128x32xf32, #tpu.memory_space<vmem>>
    %dma_wait3A_186 = arith.constant 0 : i32
    %dma_wait3A_187 = tpu.memref_slice %arg5[%dma_wait3A_180, %dma_wait3A_186] : memref<200x128xi32, #tpu.memory_space<vmem>> -> memref<1x128xi32, #tpu.memory_space<vmem>>
    %dma_wait3A_188 = tpu.memref_squeeze %dma_wait3A_187 : memref<1x128xi32, #tpu.memory_space<vmem>> -> memref<128xi32, #tpu.memory_space<vmem>>
    %dma_wait3A_189 = arith.constant 0 : i32
    %dma_wait3A_190 = arith.constant 0 : i32
    %dma_wait3A_191 = tpu.memref_slice %arg3[%dma_wait3A_189, %dma_wait3A_190] : memref<1000000x32xf32, #tpu.memory_space<hbm>> -> memref<1000000x32xf32, #tpu.memory_space<hbm>>
    tpu.wait_indirect_dma semaphore(%arg12 : memref<!tpu.dma_semaphore, #tpu.memory_space<semaphore_mem>>) src(%dma_wait3A_191 : memref<1000000x32xf32, #tpu.memory_space<hbm>>) dst(%dma_wait3A_185 : memref<128x32xf32, #tpu.memory_space<vmem>>)
    %add3A_192 = arith.constant 25216 : i32
    %add3A_193 = arith.addi %mul3A_6, %add3A_192 : i32
    %run_scoped3A_194 = arith.constant 5 : i32
    "tpu.region"() ({
      %run_scoped3A_225 = tpu.sem_alloc : memref<!tpu.dma_semaphore, #tpu.memory_space<semaphore_mem>>
      %dma_start3A_226 = arith.constant 0 : i32
      %dma_start3A_227 = arith.constant 0 : i32
      %dma_start3A_228 = tpu.memref_slice %arg6[%run_scoped3A_194, %dma_start3A_226, %dma_start3A_227] : memref<8x128x32xf32, #tpu.memory_space<vmem>> -> memref<1x128x32xf32, #tpu.memory_space<vmem>>
      %dma_start3A_229 = tpu.memref_squeeze %dma_start3A_228 : memref<1x128x32xf32, #tpu.memory_space<vmem>> -> memref<128x32xf32, #tpu.memory_space<vmem>>
      %dma_start3A_230 = arith.constant 0 : i32
      %dma_start3A_231 = tpu.memref_slice %arg4[%add3A_193, %dma_start3A_230] : memref<819200x32xf32, #tpu.memory_space<hbm>> -> memref<128x32xf32, #tpu.memory_space<hbm>>
      %dma_start3A_232 = arith.constant 0 : i32
      %dma_start3A_233 = tpu.memref_slice %arg4[%add3A_193, %dma_start3A_232] : memref<819200x32xf32, #tpu.memory_space<hbm>> -> memref<128x32xf32, #tpu.memory_space<hbm>>
      %dma_start3A_234 = arith.constant 0 : i32
      %dma_start3A_235 = arith.constant 0 : i32
      %dma_start3A_236 = tpu.memref_slice %arg6[%run_scoped3A_194, %dma_start3A_234, %dma_start3A_235] : memref<8x128x32xf32, #tpu.memory_space<vmem>> -> memref<1x128x32xf32, #tpu.memory_space<vmem>>
      %dma_start3A_237 = tpu.memref_squeeze %dma_start3A_236 : memref<1x128x32xf32, #tpu.memory_space<vmem>> -> memref<128x32xf32, #tpu.memory_space<vmem>>
      tpu.enqueue_dma source(%dma_start3A_237 : memref<128x32xf32, #tpu.memory_space<vmem>>) target(%dma_start3A_233 : memref<128x32xf32, #tpu.memory_space<hbm>>) target_semaphore(%run_scoped3A_225 : memref<!tpu.dma_semaphore, #tpu.memory_space<semaphore_mem>>)
      %dma_wait3A_238 = arith.constant 0 : i32
      %dma_wait3A_239 = arith.constant 0 : i32
      %dma_wait3A_240 = tpu.memref_slice %arg6[%run_scoped3A_194, %dma_wait3A_238, %dma_wait3A_239] : memref<8x128x32xf32, #tpu.memory_space<vmem>> -> memref<1x128x32xf32, #tpu.memory_space<vmem>>
      %dma_wait3A_241 = tpu.memref_squeeze %dma_wait3A_240 : memref<1x128x32xf32, #tpu.memory_space<vmem>> -> memref<128x32xf32, #tpu.memory_space<vmem>>
      %dma_wait3A_242 = arith.constant 0 : i32
      %dma_wait3A_243 = tpu.memref_slice %arg4[%add3A_193, %dma_wait3A_242] : memref<819200x32xf32, #tpu.memory_space<hbm>> -> memref<128x32xf32, #tpu.memory_space<hbm>>
      %dma_wait3A_244 = arith.constant 0 : i32
      %dma_wait3A_245 = tpu.memref_slice %arg4[%add3A_193, %dma_wait3A_244] : memref<819200x32xf32, #tpu.memory_space<hbm>> -> memref<128x32xf32, #tpu.memory_space<hbm>>
      %dma_wait3A_246 = arith.constant 0 : i32
      %dma_wait3A_247 = arith.constant 0 : i32
      %dma_wait3A_248 = tpu.memref_slice %arg6[%run_scoped3A_194, %dma_wait3A_246, %dma_wait3A_247] : memref<8x128x32xf32, #tpu.memory_space<vmem>> -> memref<1x128x32xf32, #tpu.memory_space<vmem>>
      %dma_wait3A_249 = tpu.memref_squeeze %dma_wait3A_248 : memref<1x128x32xf32, #tpu.memory_space<vmem>> -> memref<128x32xf32, #tpu.memory_space<vmem>>
      tpu.wait_dma2 semaphore(%run_scoped3A_225 : memref<!tpu.dma_semaphore, #tpu.memory_space<semaphore_mem>>) src(%dma_wait3A_249 : memref<128x32xf32, #tpu.memory_space<vmem>>) dst(%dma_wait3A_245 : memref<128x32xf32, #tpu.memory_space<hbm>>)
      tpu.yield
    }) : () -> ()
    %dma_wait3A_195 = arith.constant 198 : i32
    %dma_wait3A_196 = arith.constant 6 : i32
    %dma_wait3A_197 = arith.constant 0 : i32
    %dma_wait3A_198 = arith.constant 0 : i32
    %dma_wait3A_199 = tpu.memref_slice %arg6[%dma_wait3A_196, %dma_wait3A_197, %dma_wait3A_198] : memref<8x128x32xf32, #tpu.memory_space<vmem>> -> memref<1x128x32xf32, #tpu.memory_space<vmem>>
    %dma_wait3A_200 = tpu.memref_squeeze %dma_wait3A_199 : memref<1x128x32xf32, #tpu.memory_space<vmem>> -> memref<128x32xf32, #tpu.memory_space<vmem>>
    %dma_wait3A_201 = arith.constant 0 : i32
    %dma_wait3A_202 = tpu.memref_slice %arg5[%dma_wait3A_195, %dma_wait3A_201] : memref<200x128xi32, #tpu.memory_space<vmem>> -> memref<1x128xi32, #tpu.memory_space<vmem>>
    %dma_wait3A_203 = tpu.memref_squeeze %dma_wait3A_202 : memref<1x128xi32, #tpu.memory_space<vmem>> -> memref<128xi32, #tpu.memory_space<vmem>>
    %dma_wait3A_204 = arith.constant 0 : i32
    %dma_wait3A_205 = arith.constant 0 : i32
    %dma_wait3A_206 = tpu.memref_slice %arg3[%dma_wait3A_204, %dma_wait3A_205] : memref<1000000x32xf32, #tpu.memory_space<hbm>> -> memref<1000000x32xf32, #tpu.memory_space<hbm>>
    tpu.wait_indirect_dma semaphore(%arg13 : memref<!tpu.dma_semaphore, #tpu.memory_space<semaphore_mem>>) src(%dma_wait3A_206 : memref<1000000x32xf32, #tpu.memory_space<hbm>>) dst(%dma_wait3A_200 : memref<128x32xf32, #tpu.memory_space<vmem>>)
    %add3A_207 = arith.constant 25344 : i32
    %add3A_208 = arith.addi %mul3A_6, %add3A_207 : i32
    %run_scoped3A_209 = arith.constant 6 : i32
    "tpu.region"() ({
      %run_scoped3A_225 = tpu.sem_alloc : memref<!tpu.dma_semaphore, #tpu.memory_space<semaphore_mem>>
      %dma_start3A_226 = arith.constant 0 : i32
      %dma_start3A_227 = arith.constant 0 : i32
      %dma_start3A_228 = tpu.memref_slice %arg6[%run_scoped3A_209, %dma_start3A_226, %dma_start3A_227] : memref<8x128x32xf32, #tpu.memory_space<vmem>> -> memref<1x128x32xf32, #tpu.memory_space<vmem>>
      %dma_start3A_229 = tpu.memref_squeeze %dma_start3A_228 : memref<1x128x32xf32, #tpu.memory_space<vmem>> -> memref<128x32xf32, #tpu.memory_space<vmem>>
      %dma_start3A_230 = arith.constant 0 : i32
      %dma_start3A_231 = tpu.memref_slice %arg4[%add3A_208, %dma_start3A_230] : memref<819200x32xf32, #tpu.memory_space<hbm>> -> memref<128x32xf32, #tpu.memory_space<hbm>>
      %dma_start3A_232 = arith.constant 0 : i32
      %dma_start3A_233 = tpu.memref_slice %arg4[%add3A_208, %dma_start3A_232] : memref<819200x32xf32, #tpu.memory_space<hbm>> -> memref<128x32xf32, #tpu.memory_space<hbm>>
      %dma_start3A_234 = arith.constant 0 : i32
      %dma_start3A_235 = arith.constant 0 : i32
      %dma_start3A_236 = tpu.memref_slice %arg6[%run_scoped3A_209, %dma_start3A_234, %dma_start3A_235] : memref<8x128x32xf32, #tpu.memory_space<vmem>> -> memref<1x128x32xf32, #tpu.memory_space<vmem>>
      %dma_start3A_237 = tpu.memref_squeeze %dma_start3A_236 : memref<1x128x32xf32, #tpu.memory_space<vmem>> -> memref<128x32xf32, #tpu.memory_space<vmem>>
      tpu.enqueue_dma source(%dma_start3A_237 : memref<128x32xf32, #tpu.memory_space<vmem>>) target(%dma_start3A_233 : memref<128x32xf32, #tpu.memory_space<hbm>>) target_semaphore(%run_scoped3A_225 : memref<!tpu.dma_semaphore, #tpu.memory_space<semaphore_mem>>)
      %dma_wait3A_238 = arith.constant 0 : i32
      %dma_wait3A_239 = arith.constant 0 : i32
      %dma_wait3A_240 = tpu.memref_slice %arg6[%run_scoped3A_209, %dma_wait3A_238, %dma_wait3A_239] : memref<8x128x32xf32, #tpu.memory_space<vmem>> -> memref<1x128x32xf32, #tpu.memory_space<vmem>>
      %dma_wait3A_241 = tpu.memref_squeeze %dma_wait3A_240 : memref<1x128x32xf32, #tpu.memory_space<vmem>> -> memref<128x32xf32, #tpu.memory_space<vmem>>
      %dma_wait3A_242 = arith.constant 0 : i32
      %dma_wait3A_243 = tpu.memref_slice %arg4[%add3A_208, %dma_wait3A_242] : memref<819200x32xf32, #tpu.memory_space<hbm>> -> memref<128x32xf32, #tpu.memory_space<hbm>>
      %dma_wait3A_244 = arith.constant 0 : i32
      %dma_wait3A_245 = tpu.memref_slice %arg4[%add3A_208, %dma_wait3A_244] : memref<819200x32xf32, #tpu.memory_space<hbm>> -> memref<128x32xf32, #tpu.memory_space<hbm>>
      %dma_wait3A_246 = arith.constant 0 : i32
      %dma_wait3A_247 = arith.constant 0 : i32
      %dma_wait3A_248 = tpu.memref_slice %arg6[%run_scoped3A_209, %dma_wait3A_246, %dma_wait3A_247] : memref<8x128x32xf32, #tpu.memory_space<vmem>> -> memref<1x128x32xf32, #tpu.memory_space<vmem>>
      %dma_wait3A_249 = tpu.memref_squeeze %dma_wait3A_248 : memref<1x128x32xf32, #tpu.memory_space<vmem>> -> memref<128x32xf32, #tpu.memory_space<vmem>>
      tpu.wait_dma2 semaphore(%run_scoped3A_225 : memref<!tpu.dma_semaphore, #tpu.memory_space<semaphore_mem>>) src(%dma_wait3A_249 : memref<128x32xf32, #tpu.memory_space<vmem>>) dst(%dma_wait3A_245 : memref<128x32xf32, #tpu.memory_space<hbm>>)
      tpu.yield
    }) : () -> ()
    %dma_wait3A_210 = arith.constant 199 : i32
    %dma_wait3A_211 = arith.constant 7 : i32
    %dma_wait3A_212 = arith.constant 0 : i32
    %dma_wait3A_213 = arith.constant 0 : i32
    %dma_wait3A_214 = tpu.memref_slice %arg6[%dma_wait3A_211, %dma_wait3A_212, %dma_wait3A_213] : memref<8x128x32xf32, #tpu.memory_space<vmem>> -> memref<1x128x32xf32, #tpu.memory_space<vmem>>
    %dma_wait3A_215 = tpu.memref_squeeze %dma_wait3A_214 : memref<1x128x32xf32, #tpu.memory_space<vmem>> -> memref<128x32xf32, #tpu.memory_space<vmem>>
    %dma_wait3A_216 = arith.constant 0 : i32
    %dma_wait3A_217 = tpu.memref_slice %arg5[%dma_wait3A_210, %dma_wait3A_216] : memref<200x128xi32, #tpu.memory_space<vmem>> -> memref<1x128xi32, #tpu.memory_space<vmem>>
    %dma_wait3A_218 = tpu.memref_squeeze %dma_wait3A_217 : memref<1x128xi32, #tpu.memory_space<vmem>> -> memref<128xi32, #tpu.memory_space<vmem>>
    %dma_wait3A_219 = arith.constant 0 : i32
    %dma_wait3A_220 = arith.constant 0 : i32
    %dma_wait3A_221 = tpu.memref_slice %arg3[%dma_wait3A_219, %dma_wait3A_220] : memref<1000000x32xf32, #tpu.memory_space<hbm>> -> memref<1000000x32xf32, #tpu.memory_space<hbm>>
    tpu.wait_indirect_dma semaphore(%arg14 : memref<!tpu.dma_semaphore, #tpu.memory_space<semaphore_mem>>) src(%dma_wait3A_221 : memref<1000000x32xf32, #tpu.memory_space<hbm>>) dst(%dma_wait3A_215 : memref<128x32xf32, #tpu.memory_space<vmem>>)
    %add3A_222 = arith.constant 25472 : i32
    %add3A_223 = arith.addi %mul3A_6, %add3A_222 : i32
    %run_scoped3A_224 = arith.constant 7 : i32
    "tpu.region"() ({
      %run_scoped3A_225 = tpu.sem_alloc : memref<!tpu.dma_semaphore, #tpu.memory_space<semaphore_mem>>
      %dma_start3A_226 = arith.constant 0 : i32
      %dma_start3A_227 = arith.constant 0 : i32
      %dma_start3A_228 = tpu.memref_slice %arg6[%run_scoped3A_224, %dma_start3A_226, %dma_start3A_227] : memref<8x128x32xf32, #tpu.memory_space<vmem>> -> memref<1x128x32xf32, #tpu.memory_space<vmem>>
      %dma_start3A_229 = tpu.memref_squeeze %dma_start3A_228 : memref<1x128x32xf32, #tpu.memory_space<vmem>> -> memref<128x32xf32, #tpu.memory_space<vmem>>
      %dma_start3A_230 = arith.constant 0 : i32
      %dma_start3A_231 = tpu.memref_slice %arg4[%add3A_223, %dma_start3A_230] : memref<819200x32xf32, #tpu.memory_space<hbm>> -> memref<128x32xf32, #tpu.memory_space<hbm>>
      %dma_start3A_232 = arith.constant 0 : i32
      %dma_start3A_233 = tpu.memref_slice %arg4[%add3A_223, %dma_start3A_232] : memref<819200x32xf32, #tpu.memory_space<hbm>> -> memref<128x32xf32, #tpu.memory_space<hbm>>
      %dma_start3A_234 = arith.constant 0 : i32
      %dma_start3A_235 = arith.constant 0 : i32
      %dma_start3A_236 = tpu.memref_slice %arg6[%run_scoped3A_224, %dma_start3A_234, %dma_start3A_235] : memref<8x128x32xf32, #tpu.memory_space<vmem>> -> memref<1x128x32xf32, #tpu.memory_space<vmem>>
      %dma_start3A_237 = tpu.memref_squeeze %dma_start3A_236 : memref<1x128x32xf32, #tpu.memory_space<vmem>> -> memref<128x32xf32, #tpu.memory_space<vmem>>
      tpu.enqueue_dma source(%dma_start3A_237 : memref<128x32xf32, #tpu.memory_space<vmem>>) target(%dma_start3A_233 : memref<128x32xf32, #tpu.memory_space<hbm>>) target_semaphore(%run_scoped3A_225 : memref<!tpu.dma_semaphore, #tpu.memory_space<semaphore_mem>>)
      %dma_wait3A_238 = arith.constant 0 : i32
      %dma_wait3A_239 = arith.constant 0 : i32
      %dma_wait3A_240 = tpu.memref_slice %arg6[%run_scoped3A_224, %dma_wait3A_238, %dma_wait3A_239] : memref<8x128x32xf32, #tpu.memory_space<vmem>> -> memref<1x128x32xf32, #tpu.memory_space<vmem>>
      %dma_wait3A_241 = tpu.memref_squeeze %dma_wait3A_240 : memref<1x128x32xf32, #tpu.memory_space<vmem>> -> memref<128x32xf32, #tpu.memory_space<vmem>>
      %dma_wait3A_242 = arith.constant 0 : i32
      %dma_wait3A_243 = tpu.memref_slice %arg4[%add3A_223, %dma_wait3A_242] : memref<819200x32xf32, #tpu.memory_space<hbm>> -> memref<128x32xf32, #tpu.memory_space<hbm>>
      %dma_wait3A_244 = arith.constant 0 : i32
      %dma_wait3A_245 = tpu.memref_slice %arg4[%add3A_223, %dma_wait3A_244] : memref<819200x32xf32, #tpu.memory_space<hbm>> -> memref<128x32xf32, #tpu.memory_space<hbm>>
      %dma_wait3A_246 = arith.constant 0 : i32
      %dma_wait3A_247 = arith.constant 0 : i32
      %dma_wait3A_248 = tpu.memref_slice %arg6[%run_scoped3A_224, %dma_wait3A_246, %dma_wait3A_247] : memref<8x128x32xf32, #tpu.memory_space<vmem>> -> memref<1x128x32xf32, #tpu.memory_space<vmem>>
      %dma_wait3A_249 = tpu.memref_squeeze %dma_wait3A_248 : memref<1x128x32xf32, #tpu.memory_space<vmem>> -> memref<128x32xf32, #tpu.memory_space<vmem>>
      tpu.wait_dma2 semaphore(%run_scoped3A_225 : memref<!tpu.dma_semaphore, #tpu.memory_space<semaphore_mem>>) src(%dma_wait3A_249 : memref<128x32xf32, #tpu.memory_space<vmem>>) dst(%dma_wait3A_245 : memref<128x32xf32, #tpu.memory_space<hbm>>)
      tpu.yield
    }) : () -> ()
    return
  }
}

</mosaic_0001>

<sc_bundles>
// kernel: kernel.3.cloned.1.call-start
scs
__scs_entry_jumppad:
0x0: {  	(pc) =	sbr.rel $0x88, $3  }
0x1: {  	(tag) =	ssettag $0x0;
	lr =	simm.s32 $0x1  }
0x2: {  	[smem:$0x3F9F] =	sst lr;
	_ =	strace $0xD0000000  }
0x3: {  	_ = 	snop  }
0x4: {  	_ = 	snop  }
0x5: {  	_ = 	snop  }
0x6: {  	_ = 	snop  }
0x7: {  	_ = 	snop  }
__scs_overlays_trampoline_lowered:
0x8: {  	[smem:$0x3FAE] =	sst s0  }
0x9: {  	[smem:$0x3FAF] =	sst s1  }
0xa: {  	[smem:$0x3FB0] =	sst s2  }
0xb: {  	[smem:$0x3FB1] =	sst s3  }
0xc: {  	[smem:$0x3FB2] =	sst s4  }
0xd: {  	[smem:$0x3FB3] =	sst s5  }
0xe: {  	[smem:$0x3FB4] =	sst s6  }
0xf: {  	[smem:$0x3FB5] =	sst s7  }
0x10: {  	[smem:$0x3FB6] =	sst s8  }
0x11: {  	[smem:$0x3FB7] =	sst s9;
	s0 =	simm.s32 @!p0 $0x0  }
0x12: {  	s1 =	sld [smem:$0x3F9D];
	s0 =	simm.s32 @p0 $0x1  }
0x13: {  	[smem:$0x3FB8] =	sst s0;
	s0 =	simm.s32 @!p1 $0x0  }
0x14: {  	s2 =	sld [smem:$0x3F9C];
	s0 =	simm.s32 @p1 $0x1  }
0x15: {  	[smem:$0x3FB9] =	sst s0;
	s0 =	simm.s32 @!p2 $0x0  }
0x16: {  	s3 =	sld [smem:$0x3FDB];
	s0 =	simm.s32 @p2 $0x1  }
0x17: {  	s4 =	simm.s32 $0x1BF5;
	[smem:$0x3FBB] =	sst s0  }
0x18: {  	s0 =	sld [smem:$0x3F9E];
	_ =	swait.ge [sflag:s4], $0x0  }
0x19: {  	s7 =	sld [smem:$0x3F9F]  }
0x1a: {  	s8 =	sadd.s32 $0xFFFFE003, lr  }
0x1b: {  	s9 =	sadd.s32 $0xFFFFFEF7, lr;
	s5 =	simm.s32 $0xFFFFFFFF;
	p2 =	slt.u32 s8, $0xFFFFF086  }
0x1c: {  	p1 =	slt.u32 s9, $0xF7A;
	s5 =	simm.s32 @!p2 $0x0  }
0x1d: {  	s5 =	simm.s32 @p1 $0x1;
	p0 =	seq.s32 s7, s2  }
0x1e: {  	s7 =	smul.u32 @!p0 $0xF7A, s2;
	p2 =	seq.s32 @!p0 s5, $0x0  }
0x1f: {  	s9 =	smul.u32 $0xF7A, s1;
	s8 =	simm.s32 @!p0 $0x1BF5;
	p2 =	por !p2, p0  }
0x20: {  	[sflag:s8] =	ssyncset.s32 @!p0 $0xFFFFF086;
	s6 =	sadd.s32 @!p0 s3, s7;
	s7 =	simm.s32 @!p0 $0x108  }
0x21: {  	s3 =	sadd.s32 s3, s9;
	s6 =	sadd.s32 @!p0 $0x88, s6;
	s7 =	simm.s32 @p2 $0x1082  }
0x22: {  	[simem:s7], [sflag:s8] =	dma.local @!p0 [hbm:s6], $0xF7A  }
0x23: {  	s9 =	sor.u32 $0xD0000000, s2;
	s6 =	simm.s32 $0x108;
	_ =	swait.ge @!p0 [sflag:s8], $0x0  }
0x24: {  	s3 =	sadd.s32 $0x88, s3;
	s6 =	simm.s32 @!p1 $0x1082;
	[sflag:s4] =	ssyncset.s32 $0xFFFFF086  }
0x25: {  	[simem:s6], [sflag:s4] =	dma.local [hbm:s3], $0xF7A  }
0x26: {  	[smem:$0x3F9F] =	sst s1;
	(tag) =	ssettag s2;
	_ =	strace s9  }
0x27: {  	s1 =	sld [smem:$0x3FAF]  }
0x28: {  	s2 =	sld [smem:$0x3FB0]  }
0x29: {  	s4 =	sld [smem:$0x3FB2]  }
0x2a: {  	p0 =	seq.s32 s5, $0x0;
	s5 =	sld [smem:$0x3FB3]  }
0x2b: {  	s6 =	sld [smem:$0x3FB4]  }
0x2c: {  	s7 =	sld [smem:$0x3FB5]  }
0x2d: {  	s3 =	simm.s32 $0x108;
	s8 =	sld [smem:$0x3FB6]  }
0x2e: {  	s3 =	simm.s32 @!p0 $0x1082;
	s9 =	sld [smem:$0x3FB7]  }
0x2f: {  	lr =	sadd.s32 s0, s3;
	s0 =	sld [smem:$0x3FAE]  }
0x30: {  	s3 =	sld [smem:$0x3FB1]  }
0x31: {  	[smem:$0x3FBA] =	sst s10  }
0x32: {  	s10 =	sld [smem:$0x3FB8];
	_ =	sdelay $0x3  }
0x33: {  	p0 =	seq.s32 s10, $0x1;
	s10 =	sld [smem:$0x3FBA];
	_ =	sdelay $0x3  }
0x34: {  	[smem:$0x3FBA] =	sst s10  }
0x35: {  	s10 =	sld [smem:$0x3FB9];
	_ =	sdelay $0x3  }
0x36: {  	p1 =	seq.s32 s10, $0x1;
	s10 =	sld [smem:$0x3FBA];
	_ =	sdelay $0x3  }
0x37: {  	[smem:$0x3FBA] =	sst s10  }
0x38: {  	s10 =	sld [smem:$0x3FBB]  }
0x39: {  	_ = 	snop;
	(pc) =	sbr.ind lr, $3  }
0x3a: {  	_ = 	snop  }
0x3b: {  	_ = 	snop  }
0x3c: {  	p2 =	seq.s32 s10, $0x1;
	s10 =	sld [smem:$0x3FBA]  }
0x3d: {  	_ =	shalt  }
0x3e: {  	_ =	shalt  }
0x3f: {  	_ =	shalt  }
0x40: {  	_ =	shalt  }
0x41: {  	_ =	shalt  }
0x42: {  	_ =	shalt  }
0x43: {  	_ =	shalt  }
0x44: {  	_ =	shalt  }
0x45: {  	_ =	shalt  }
0x46: {  	_ =	shalt  }
0x47: {  	_ =	shalt  }
0x48: {  	_ =	shalt  }
0x49: {  	_ =	shalt  }
0x4a: {  	_ =	shalt  }
0x4b: {  	_ =	shalt  }
0x4c: {  	_ =	shalt  }
0x4d: {  	_ =	shalt  }
0x4e: {  	_ =	shalt  }
0x4f: {  	_ =	shalt  }
0x50: {  	_ =	shalt  }
0x51: {  	_ =	shalt  }
0x52: {  	_ =	shalt  }
0x53: {  	_ =	shalt  }
0x54: {  	_ =	shalt  }
0x55: {  	_ =	shalt  }
0x56: {  	_ =	shalt  }
0x57: {  	_ =	shalt  }
0x58: {  	_ =	shalt  }
0x59: {  	_ =	shalt  }
0x5a: {  	_ =	shalt  }
0x5b: {  	_ =	shalt  }
0x5c: {  	_ =	shalt  }
0x5d: {  	_ =	shalt  }
0x5e: {  	_ =	shalt  }
0x5f: {  	_ =	shalt  }
0x60: {  	_ =	shalt  }
0x61: {  	_ =	shalt  }
0x62: {  	_ =	shalt  }
0x63: {  	_ =	shalt  }
0x64: {  	_ =	shalt  }
0x65: {  	_ =	shalt  }
0x66: {  	_ =	shalt  }
0x67: {  	_ =	shalt  }
0x68: {  	_ =	shalt  }
0x69: {  	_ =	shalt  }
0x6a: {  	_ =	shalt  }
0x6b: {  	_ =	shalt  }
0x6c: {  	_ =	shalt  }
0x6d: {  	_ =	shalt  }
0x6e: {  	_ =	shalt  }
0x6f: {  	_ =	shalt  }
0x70: {  	_ =	shalt  }
0x71: {  	_ =	shalt  }
0x72: {  	_ =	shalt  }
0x73: {  	_ =	shalt  }
0x74: {  	_ =	shalt  }
0x75: {  	_ =	shalt  }
0x76: {  	_ =	shalt  }
0x77: {  	_ =	shalt  }
0x78: {  	_ =	shalt  }
0x79: {  	_ =	shalt  }
0x7a: {  	_ =	shalt  }
0x7b: {  	_ =	shalt  }
0x7c: {  	_ =	shalt  }
0x7d: {  	_ =	shalt  }
0x7e: {  	_ =	shalt  }
0x7f: {  	_ =	shalt  }
0x80: {  	_ =	shalt  }
0x81: {  	_ =	shalt  }
0x82: {  	_ =	shalt  }
0x83: {  	_ =	shalt  }
0x84: {  	_ =	shalt  }
0x85: {  	_ =	shalt  }
0x86: {  	_ =	shalt  }
0x87: {  	_ =	shalt  }
.Lfunc_end0:
.L_simem_size_0:
called_computation.1_lowered:
.L_overlay_start_0:
0x88: {  	s2 =	sld [smem:$0x3FD9]  }
0x89: {  	s3 =	sld [smem:$0x3FFE];
	_ =	sdelay $0x1  }
0x8a: {  	s1 =	srdreg.scid  }
0x8b: {  	s0 =	sand.u32 $0x1, s1  }
0x8c: {  	s17 =	sshll.u32 s0, $0xA;
	s2 =	sadd.s32 s3, s2  }
0x8d: {  	s2 =	sadd.s32 s2, s17  }
0x8e: {  	[smem:$0x3FC6] =	sst s2  }
0x8f: {  	_ = 	snop  }
0x90: {  	s2 =	sld [smem:$0x3FD0];
	(tm) =	ssettm $0x1  }
0x91: {  	s18 =	sld [smem:$0x3FFB];
	_ =	sdelay $0x3  }
0x92: {  	_ =	strace s18  }
0x93: {  	s3 =	sld [smem:$0x3FFC];
	_ =	sdelay $0x3  }
0x94: {  	_ =	strace s3  }
0x95: {  	s3 =	sld [smem:$0x3FFD];
	_ =	sdelay $0x3  }
0x96: {  	_ =	strace s3  }
0x97: {  	_ =	strace $0x8FFFFFFF  }
0x98: {  	s19 =	sld [smem:$0x3FDB];
	_ =	sdelay $0x1  }
0x99: {  	s4 =	simm.s32 $_scs_section_size  }
0x9a: {  	s5 =	simm.s32 $_size__tile_overlayer_lowered;
	s6 =	simm.s32 $_tile_overlayer_lowered  }
0x9b: {  	s22 =	simm.s32 $0x1BFF;
	s21 =	sshll.u32 s6, $0x1;
	s3 =	sadd.s32 s4, s19  }
0x9c: {  	s7 =	simm.s32 $0x0;
	s20 =	sshll.u32 s5, $0x1;
	s5 =	sadd.s32 s21, s3  }
0x9d: {  	[timem:s7], [sflag:s22] =	dma.local [hbm:s5], s20  }
0x9e: {  	_ =	swait.ge [sflag:s22], s20  }
0x9f: {  	s4 =	ssub.s32 $0x0, s20;
	[sflag:s22] =	ssyncset.done $0x0  }
0xa0: {  	[sflag:s22] =	ssyncadd.s32 s4;
	_ =	sdelay $0x1  }
0xa1: {  	s23 =	simm.s32 $0x1B8B  }
0xa2: {  	_ =	swait.ge [sflag:s23], $0x1  }
0xa3: {  	[sflag:s23] =	ssyncset.done $0x0  }
0xa4: {  	s25 =	simm.s32 $0x1B8E;
	s24 =	sld [smem:$0x3FFE];
	[sflag:s23] =	ssyncadd.s32 $0xFFFFFFFF  }
0xa5: {  	s26 =	simm.s32 $execute0_lowered;
	[smem:$0x3FD2] =	sst s25  }
0xa6: {  	s5 =	sshll.u32 s26, $0x1;
	_ =	strace $0x80000046;
	[dreg:$0x1] =	wrdreg $0xFFFFFFFF  }
0xa7: {  	s28 =	simm.s32 $_size_execute0_lowered;
	s3 =	sadd.s32 s3, s5;
	[dreg:$0x0] =	wrdreg $0x0  }
0xa8: {  	s5 =	sshll.u32 s28, $0x1;
	[dreg:$0x2] =	wrdreg s3  }
0xa9: {  	[dreg:$0x3] =	wrdreg s5  }
0xaa: {  	[dreg:$0x4] =	wrdreg $0xC0  }
0xab: {  	_ =	task [dreg:s7], $0x5FFFF  }
0xac: {  	[dreg:$0x1] =	wrdreg $0xFFFFFFFF  }
0xad: {  	[dreg:$0x0] =	wrdreg $0x60  }
0xae: {  	[dreg:$0x2] =	wrdreg s24  }
0xaf: {  	[dreg:$0x3] =	wrdreg s2  }
0xb0: {  	[dreg:$0x4] =	wrdreg $0x9  }
0xb1: {  	_ =	task.clear_ibuf [dreg:s7], $0x5FFFF;
	_ =	strace $0x90000046  }
0xb2: {  	s29 =	simm.s32 $0x9;
	_ =	strace $0x80000048  }
0xb3: {  	_ =	swait.ge [sflag:s29], $0x1  }
0xb4: {  	[sflag:s29] =	ssyncadd.s32 $0xFFFFFFFF  }
0xb5: {  	_ =	strace $0x90000048  }
0xb6: {  	_ =	sfence  }
0xb7: {  	s30 =	sld [smem:$0x0];
	_ =	sdelay $0x2  }
0xb8: {  	s31 =	sshll.u32 s1, $0xD;
	s1 =	sshrl.u32 s1, $0x2  }
0xb9: {  	s3 =	sand.u32 $0x4000, s31;
	s1 =	sadd.s32 s1, s30  }
0xba: {  	s0 =	sor.u32 s3, s0;
	s1 =	sshll.u32 s1, $0x11  }
0xbb: {  	s0 =	sor.u32 s1, s0  }
0xbc: {  	s0 =	sadd.s32 $0x8F2B, s0  }
0xbd: {  	[sflag:s0] =	ssyncadd.remote.s32 $0x1  }
0xbe: {  	_ =	sfence.sel $0xFFFF  }
0xbf: {  	[dreg:$0x0] =	wrdreg $0xFFFFFFFF;
	(pc) =	sbr.abs _section_cstart, $3  }
0xc0: {  	[dreg:$0x1] =	wrdreg $0xFFFFFFFF  }
0xc1: {  	_ =	task.clear_ibuf [dreg:s7], $0x2FFFF;
	_ =	strace $0x9FFFFFFF  }
0xc2: {  	(tm) =	ssettm $0x7FFFFFFF  }
0xc3: {  	_ =	shalt  }
tec
execute0_lowered:
.L_overlay_start_1:
0x0: {  	(tag) =	ssettag $0x1  }
0x1: {  	s0 =	srdreg.scid;
	s3 =	rddreg [dreg:$0x0]  }
0x2: {  	s9 =	stileid.u32;
	s5 =	rddreg [dreg:$0x1];
	s2 =	simm.s32 $0x0  }
0x3: {  	s14 =	simm.s32 $0x9;
	s15 =	simm.s32 $0x80;
	s16 =	simm.s32 $0x6400  }
0x4: {  	s28 =	simm.s32 $0xC400;
	s30 =	simm.s32 $0xD400;
	s6 =	smul.u32 $0x190000, s9  }
0x5: {  	s0 =	sand.u32 $0x1, s0;
	s1 =	sshll.u32 s9, $0x1;
	s9 =	smul.u32 $0xC800, s9  }
0x6: {  	s31 =	simm.s32 $0x1;
	s29 =	simm.s32 $0x0;
	s7 =	smul.u32 $0xC8000, s0  }
0x7: {  	s1 =	sor.u32 s0, s1;
	s8 =	ssub.s32 $0x2, s0;
	s0 =	smul.u32 $0x6400, s0  }
0x8: {  	[smem:$0x7FF] =	sst s2;
	s4 =	smul.u32 $0xC80, s1;
	s10 =	sshrl.u32 s8, $0x1  }
0x9: {  	_ =	strace $0x80000047;
	s1 =	smul.u32 $0xC8000, s1;
	s13 =	ssub.s32 s8, s10  }
0xa: {  	s17 =	sadd.s32 s7, s6;
	s0 =	sadd.s32 s0, s9;
	s4 =	sadd.s32 s4, s3  }
0xb: {  	s3 =	sadd.s32 $0xF42E00, s3;
	s1 =	sshrl.u32 s1, $0x3;
	s0 =	sshll.u32 s0, $0x2  }
0xc: {  	s13 =	smax.u32 s13, $0x1;
	s4 =	sadd.s32 $0xA00, s4;
	s1 =	sadd.s32 s5, s1  }
0xd: {  	s0 =	sadd.s32 s0, s5;
	[dreg:$0xb] =	wrdreg s4;
	s18 =	sadd.s32 $0x18000, s1  }
0xe: {  	s4 =	sshrl.u32 s17, $0x3;
	s19 =	sadd.s32 $0x18200, s1;
	[dreg:$0xc] =	wrdreg s18  }
0xf: {  	s20 =	sadd.s32 $0xE00, s0;
	s21 =	sadd.s32 $0x18400, s1;
	[dreg:$0xd] =	wrdreg s19  }
0x10: {  	s22 =	sadd.s32 $0xC00, s0;
	s8 =	sadd.s32 $0x18600, s1;
	[dreg:$0xe] =	wrdreg s21  }
0x11: {  	s23 =	sadd.s32 $0xA00, s0;
	s9 =	sadd.s32 $0x18800, s1;
	[dreg:$0x4] =	wrdreg s20  }
0x12: {  	s24 =	sadd.s32 $0x800, s0;
	s10 =	sadd.s32 $0x18A00, s1;
	[dreg:$0x5] =	wrdreg s22  }
0x13: {  	s25 =	sadd.s32 $0x600, s0;
	s11 =	sadd.s32 $0x18C00, s1;
	[dreg:$0x6] =	wrdreg s23  }
0x14: {  	s26 =	sadd.s32 $0x400, s0;
	s12 =	sadd.s32 $0x18E00, s1;
	[dreg:$0x7] =	wrdreg s24  }
0x15: {  	s0 =	sadd.s32 $0x200, s0;
	s17 =	simm.s32 $0x7400;
	[dreg:$0x8] =	wrdreg s25  }
0x16: {  	s1 =	simm.s32 $0x2;
	s4 =	sadd.s32 s4, s5;
	[dreg:$0x9] =	wrdreg s26  }
0x17: {  	[dreg:$0xa] =	wrdreg s0;
	s19 =	simm.s32 $0x8400;
	s21 =	simm.s32 $0x9400  }
0x18: {  	s23 =	simm.s32 $0xA400;
	s25 =	simm.s32 $0xB400;
	s0 =	simm.s32 $0x3  }
0x19: {  	s18 =	simm.s32 $0x4;
	s20 =	simm.s32 $0x5;
	s22 =	simm.s32 $0x6  }
0x1a: {  	s24 =	simm.s32 $0x7;
	s26 =	simm.s32 $0x8;
	[dreg:$0x3] =	wrdreg s4  }
.LBB2_1:
0x1b: {  	s4 =	rddreg [dreg:$0xb]  }
0x1c: {  	[tilespmem:s2], [sflag:$0x9] =	stream.linear.gather [hbm4b:s4+s2], $0x6400, $0x38;
	[tilespmem:$0xE400] =	vst v63  }
0x1d: {  	_ =	swait.ge [sflag:s14], $0x6400  }
0x1e: {  	[sflag:s14] =	ssyncset.done $0x0  }
0x1f: {  	[sflag:s14] =	ssyncadd.s32 $0xFFFF9C00  }
0x20: {  	[tilespmem:s16], [sflag:$0x1] =	stream.indirect.gather [hbm4b:s3+s15], $0x20, s2, s15, $0xb8;
	[tilespmem:$0xE400] =	vst v63  }
0x21: {  	_ = 	snop  }
0x22: {  	[tilespmem:s17], [sflag:$0x2] =	stream.indirect.gather [hbm4b:s3+s15], $0x20, s15, s15, $0xb8;
	[tilespmem:$0xE400] =	vst v63  }
0x23: {  	s5 =	simm.s32 $0x100  }
0x24: {  	[tilespmem:s19], [sflag:$0x3] =	stream.indirect.gather [hbm4b:s3+s15], $0x20, s5, s15, $0xb8;
	[tilespmem:$0xE400] =	vst v63  }
0x25: {  	s6 =	simm.s32 $0x180  }
0x26: {  	[tilespmem:s21], [sflag:$0x4] =	stream.indirect.gather [hbm4b:s3+s15], $0x20, s6, s15, $0xb8;
	[tilespmem:$0xE400] =	vst v63  }
0x27: {  	s7 =	simm.s32 $0x200  }
0x28: {  	[tilespmem:s23], [sflag:$0x5] =	stream.indirect.gather [hbm4b:s3+s15], $0x20, s7, s15, $0xb8;
	[tilespmem:$0xE400] =	vst v63  }
0x29: {  	s5 =	simm.s32 $0x280  }
0x2a: {  	[tilespmem:s25], [sflag:$0x6] =	stream.indirect.gather [hbm4b:s3+s15], $0x20, s5, s15, $0xb8;
	[tilespmem:$0xE400] =	vst v63  }
0x2b: {  	s6 =	simm.s32 $0x300  }
0x2c: {  	[tilespmem:s28], [sflag:$0x7] =	stream.indirect.gather [hbm4b:s3+s15], $0x20, s6, s15, $0xb8;
	[tilespmem:$0xE400] =	vst v63  }
0x2d: {  	s7 =	simm.s32 $0x380  }
0x2e: {  	[tilespmem:s30], [sflag:$0x8] =	stream.indirect.gather [hbm4b:s3+s15], $0x20, s7, s15, $0xb8;
	[tilespmem:$0xE400] =	vst v63  }
0x2f: {  	_ =	swait.ge [sflag:s31], $0x1000  }
0x30: {  	s5 =	rddreg [dreg:$0x3];
	[sflag:s31] =	ssyncset.done $0x0  }
0x31: {  	[sflag:s31] =	ssyncadd.s32 $0xFFFFF000;
	s4 =	sadd.s32 $0x0, s5  }
0x32: {  	[hbm4b:s4+s2] =	stream.linear.scatter [tilespmem:s16], [sflag:$0x9], $0x1000, $0x38;
	[tilespmem:$0xE400] =	vst v63  }
0x33: {  	_ =	swait.ge [sflag:s14], $0x1000  }
0x34: {  	[sflag:s14] =	ssyncset.done $0x0  }
0x35: {  	s6 =	simm.s32 $0x400;
	[sflag:s14] =	ssyncadd.s32 $0xFFFFF000  }
0x36: {  	[tilespmem:s16], [sflag:$0x1] =	stream.indirect.gather [hbm4b:s3+s15], $0x20, s6, s15, $0xb8;
	[tilespmem:$0xE400] =	vst v63  }
0x37: {  	_ =	swait.ge [sflag:s1], $0x1000  }
0x38: {  	s7 =	rddreg [dreg:$0xa];
	[sflag:s1] =	ssyncset.done $0x0  }
0x39: {  	[sflag:s1] =	ssyncadd.s32 $0xFFFFF000;
	s4 =	sadd.s32 $0x0, s7  }
0x3a: {  	[hbm4b:s4+s2] =	stream.linear.scatter [tilespmem:s17], [sflag:$0x9], $0x1000, $0x38;
	[tilespmem:$0xE400] =	vst v63  }
0x3b: {  	_ =	swait.ge [sflag:s14], $0x1000  }
0x3c: {  	[sflag:s14] =	ssyncset.done $0x0  }
0x3d: {  	s5 =	simm.s32 $0x480;
	[sflag:s14] =	ssyncadd.s32 $0xFFFFF000  }
0x3e: {  	[tilespmem:s17], [sflag:$0x2] =	stream.indirect.gather [hbm4b:s3+s15], $0x20, s5, s15, $0xb8;
	[tilespmem:$0xE400] =	vst v63  }
0x3f: {  	_ =	swait.ge [sflag:s0], $0x1000  }
0x40: {  	s6 =	rddreg [dreg:$0x9];
	[sflag:s0] =	ssyncset.done $0x0  }
0x41: {  	[sflag:s0] =	ssyncadd.s32 $0xFFFFF000;
	s4 =	sadd.s32 $0x0, s6  }
0x42: {  	[hbm4b:s4+s2] =	stream.linear.scatter [tilespmem:s19], [sflag:$0x9], $0x1000, $0x38;
	[tilespmem:$0xE400] =	vst v63  }
0x43: {  	_ =	swait.ge [sflag:s14], $0x1000  }
0x44: {  	[sflag:s14] =	ssyncset.done $0x0  }
0x45: {  	s7 =	simm.s32 $0x500;
	[sflag:s14] =	ssyncadd.s32 $0xFFFFF000  }
0x46: {  	[tilespmem:s19], [sflag:$0x3] =	stream.indirect.gather [hbm4b:s3+s15], $0x20, s7, s15, $0xb8;
	[tilespmem:$0xE400] =	vst v63  }
0x47: {  	_ =	swait.ge [sflag:s18], $0x1000  }
0x48: {  	s5 =	rddreg [dreg:$0x8];
	[sflag:s18] =	ssyncset.done $0x0  }
0x49: {  	[sflag:s18] =	ssyncadd.s32 $0xFFFFF000;
	s4 =	sadd.s32 $0x0, s5  }
0x4a: {  	[hbm4b:s4+s2] =	stream.linear.scatter [tilespmem:s21], [sflag:$0x9], $0x1000, $0x38;
	[tilespmem:$0xE400] =	vst v63  }
0x4b: {  	_ =	swait.ge [sflag:s14], $0x1000  }
0x4c: {  	[sflag:s14] =	ssyncset.done $0x0  }
0x4d: {  	s6 =	simm.s32 $0x580;
	[sflag:s14] =	ssyncadd.s32 $0xFFFFF000  }
0x4e: {  	[tilespmem:s21], [sflag:$0x4] =	stream.indirect.gather [hbm4b:s3+s15], $0x20, s6, s15, $0xb8;
	[tilespmem:$0xE400] =	vst v63  }
0x4f: {  	_ =	swait.ge [sflag:s20], $0x1000  }
0x50: {  	s7 =	rddreg [dreg:$0x7];
	[sflag:s20] =	ssyncset.done $0x0  }
0x51: {  	[sflag:s20] =	ssyncadd.s32 $0xFFFFF000;
	s4 =	sadd.s32 $0x0, s7  }
0x52: {  	[hbm4b:s4+s2] =	stream.linear.scatter [tilespmem:s23], [sflag:$0x9], $0x1000, $0x38;
	[tilespmem:$0xE400] =	vst v63  }
0x53: {  	_ =	swait.ge [sflag:s14], $0x1000  }
0x54: {  	[sflag:s14] =	ssyncset.done $0x0  }
0x55: {  	s5 =	simm.s32 $0x600;
	[sflag:s14] =	ssyncadd.s32 $0xFFFFF000  }
0x56: {  	[tilespmem:s23], [sflag:$0x5] =	stream.indirect.gather [hbm4b:s3+s15], $0x20, s5, s15, $0xb8;
	[tilespmem:$0xE400] =	vst v63  }
0x57: {  	_ =	swait.ge [sflag:s22], $0x1000  }
0x58: {  	s6 =	rddreg [dreg:$0x6];
	[sflag:s22] =	ssyncset.done $0x0  }
0x59: {  	[sflag:s22] =	ssyncadd.s32 $0xFFFFF000;
	s4 =	sadd.s32 $0x0, s6  }
0x5a: {  	[hbm4b:s4+s2] =	stream.linear.scatter [tilespmem:s25], [sflag:$0x9], $0x1000, $0x38;
	[tilespmem:$0xE400] =	vst v63  }
0x5b: {  	_ =	swait.ge [sflag:s14], $0x1000  }
0x5c: {  	[sflag:s14] =	ssyncset.done $0x0  }
0x5d: {  	s7 =	simm.s32 $0x680;
	[sflag:s14] =	ssyncadd.s32 $0xFFFFF000  }
0x5e: {  	[tilespmem:s25], [sflag:$0x6] =	stream.indirect.gather [hbm4b:s3+s15], $0x20, s7, s15, $0xb8;
	[tilespmem:$0xE400] =	vst v63  }
0x5f: {  	_ =	swait.ge [sflag:s24], $0x1000  }
0x60: {  	s5 =	rddreg [dreg:$0x5];
	[sflag:s24] =	ssyncset.done $0x0  }
0x61: {  	[sflag:s24] =	ssyncadd.s32 $0xFFFFF000;
	s4 =	sadd.s32 $0x0, s5  }
0x62: {  	[hbm4b:s4+s2] =	stream.linear.scatter [tilespmem:s28], [sflag:$0x9], $0x1000, $0x38;
	[tilespmem:$0xE400] =	vst v63  }
0x63: {  	_ =	swait.ge [sflag:s14], $0x1000  }
0x64: {  	[sflag:s14] =	ssyncset.done $0x0  }
0x65: {  	s6 =	simm.s32 $0x700;
	[sflag:s14] =	ssyncadd.s32 $0xFFFFF000  }
0x66: {  	[tilespmem:s28], [sflag:$0x7] =	stream.indirect.gather [hbm4b:s3+s15], $0x20, s6, s15, $0xb8;
	[tilespmem:$0xE400] =	vst v63  }
0x67: {  	_ =	swait.ge [sflag:s26], $0x1000  }
0x68: {  	s7 =	rddreg [dreg:$0x4];
	[sflag:s26] =	ssyncset.done $0x0  }
0x69: {  	[sflag:s26] =	ssyncadd.s32 $0xFFFFF000;
	s4 =	sadd.s32 $0x0, s7  }
0x6a: {  	[hbm4b:s4+s2] =	stream.linear.scatter [tilespmem:s30], [sflag:$0x9], $0x1000, $0x38;
	[tilespmem:$0xE400] =	vst v63  }
0x6b: {  	_ =	swait.ge [sflag:s14], $0x1000  }
0x6c: {  	[sflag:s14] =	ssyncset.done $0x0  }
0x6d: {  	s5 =	simm.s32 $0x780;
	s4 =	simm.s32 $0x1000;
	[sflag:s14] =	ssyncadd.s32 $0xFFFFF000  }
.LBB2_2:
0x6e: {  	[tilespmem:s30], [sflag:$0x8] =	stream.indirect.gather [hbm4b:s3+s15], $0x20, s5, s15, $0xb8;
	[tilespmem:$0xE400] =	vst v63  }
0x6f: {  	_ =	swait.ge [sflag:s31], $0x1000  }
0x70: {  	s5 =	smov.u32 s4;
	s6 =	rddreg [dreg:$0x3];
	[sflag:s31] =	ssyncset.done $0x0  }
0x71: {  	[sflag:s31] =	ssyncadd.s32 $0xFFFFF000;
	s6 =	sadd.s32 s5, s6  }
0x72: {  	[hbm4b:s6+s2] =	stream.linear.scatter [tilespmem:s16], [sflag:$0x9], $0x1000, $0x38;
	[tilespmem:$0xE400] =	vst v63  }
0x73: {  	_ =	swait.ge [sflag:s14], $0x1000  }
0x74: {  	s6 =	sshra.s32 s5, $0x2;
	[sflag:s14] =	ssyncset.done $0x0  }
0x75: {  	s7 =	sadd.s32 $0x400, s6;
	[sflag:s14] =	ssyncadd.s32 $0xFFFFF000  }
0x76: {  	[tilespmem:s16], [sflag:$0x1] =	stream.indirect.gather [hbm4b:s3+s15], $0x20, s7, s15, $0xb8;
	[tilespmem:$0xE400] =	vst v63  }
0x77: {  	_ =	swait.ge [sflag:s1], $0x1000  }
0x78: {  	s7 =	rddreg [dreg:$0xa];
	[sflag:s1] =	ssyncset.done $0x0  }
0x79: {  	[sflag:s1] =	ssyncadd.s32 $0xFFFFF000;
	s7 =	sadd.s32 s5, s7  }
0x7a: {  	[hbm4b:s7+s2] =	stream.linear.scatter [tilespmem:s17], [sflag:$0x9], $0x1000, $0x38;
	[tilespmem:$0xE400] =	vst v63  }
0x7b: {  	_ =	swait.ge [sflag:s14], $0x1000  }
0x7c: {  	[sflag:s14] =	ssyncset.done $0x0  }
0x7d: {  	s7 =	sadd.s32 $0x480, s6;
	[sflag:s14] =	ssyncadd.s32 $0xFFFFF000  }
0x7e: {  	[tilespmem:s17], [sflag:$0x2] =	stream.indirect.gather [hbm4b:s3+s15], $0x20, s7, s15, $0xb8;
	[tilespmem:$0xE400] =	vst v63  }
0x7f: {  	_ =	swait.ge [sflag:s0], $0x1000  }
0x80: {  	s7 =	rddreg [dreg:$0x9];
	[sflag:s0] =	ssyncset.done $0x0  }
0x81: {  	[sflag:s0] =	ssyncadd.s32 $0xFFFFF000;
	s7 =	sadd.s32 s5, s7  }
0x82: {  	[hbm4b:s7+s2] =	stream.linear.scatter [tilespmem:s19], [sflag:$0x9], $0x1000, $0x38;
	[tilespmem:$0xE400] =	vst v63  }
0x83: {  	_ =	swait.ge [sflag:s14], $0x1000  }
0x84: {  	[sflag:s14] =	ssyncset.done $0x0  }
0x85: {  	s7 =	sadd.s32 $0x500, s6;
	[sflag:s14] =	ssyncadd.s32 $0xFFFFF000  }
0x86: {  	[tilespmem:s19], [sflag:$0x3] =	stream.indirect.gather [hbm4b:s3+s15], $0x20, s7, s15, $0xb8;
	[tilespmem:$0xE400] =	vst v63  }
0x87: {  	_ =	swait.ge [sflag:s18], $0x1000  }
0x88: {  	s7 =	rddreg [dreg:$0x8];
	[sflag:s18] =	ssyncset.done $0x0  }
0x89: {  	[sflag:s18] =	ssyncadd.s32 $0xFFFFF000;
	s7 =	sadd.s32 s5, s7  }
0x8a: {  	[hbm4b:s7+s2] =	stream.linear.scatter [tilespmem:s21], [sflag:$0x9], $0x1000, $0x38;
	[tilespmem:$0xE400] =	vst v63  }
0x8b: {  	_ =	swait.ge [sflag:s14], $0x1000  }
0x8c: {  	[sflag:s14] =	ssyncset.done $0x0  }
0x8d: {  	s7 =	sadd.s32 $0x580, s6;
	[sflag:s14] =	ssyncadd.s32 $0xFFFFF000  }
0x8e: {  	[tilespmem:s21], [sflag:$0x4] =	stream.indirect.gather [hbm4b:s3+s15], $0x20, s7, s15, $0xb8;
	[tilespmem:$0xE400] =	vst v63  }
0x8f: {  	_ =	swait.ge [sflag:s20], $0x1000  }
0x90: {  	s7 =	rddreg [dreg:$0x7];
	[sflag:s20] =	ssyncset.done $0x0  }
0x91: {  	[sflag:s20] =	ssyncadd.s32 $0xFFFFF000;
	s7 =	sadd.s32 s5, s7  }
0x92: {  	[hbm4b:s7+s2] =	stream.linear.scatter [tilespmem:s23], [sflag:$0x9], $0x1000, $0x38;
	[tilespmem:$0xE400] =	vst v63  }
0x93: {  	_ =	swait.ge [sflag:s14], $0x1000  }
0x94: {  	[sflag:s14] =	ssyncset.done $0x0  }
0x95: {  	s7 =	sadd.s32 $0x600, s6;
	[sflag:s14] =	ssyncadd.s32 $0xFFFFF000  }
0x96: {  	[tilespmem:s23], [sflag:$0x5] =	stream.indirect.gather [hbm4b:s3+s15], $0x20, s7, s15, $0xb8;
	[tilespmem:$0xE400] =	vst v63  }
0x97: {  	_ =	swait.ge [sflag:s22], $0x1000  }
0x98: {  	s7 =	rddreg [dreg:$0x6];
	[sflag:s22] =	ssyncset.done $0x0  }
0x99: {  	[sflag:s22] =	ssyncadd.s32 $0xFFFFF000;
	s7 =	sadd.s32 s5, s7  }
0x9a: {  	[hbm4b:s7+s2] =	stream.linear.scatter [tilespmem:s25], [sflag:$0x9], $0x1000, $0x38;
	[tilespmem:$0xE400] =	vst v63  }
0x9b: {  	_ =	swait.ge [sflag:s14], $0x1000  }
0x9c: {  	[sflag:s14] =	ssyncset.done $0x0  }
0x9d: {  	s7 =	sadd.s32 $0x680, s6;
	[sflag:s14] =	ssyncadd.s32 $0xFFFFF000  }
0x9e: {  	[tilespmem:s25], [sflag:$0x6] =	stream.indirect.gather [hbm4b:s3+s15], $0x20, s7, s15, $0xb8;
	[tilespmem:$0xE400] =	vst v63  }
0x9f: {  	_ =	swait.ge [sflag:s24], $0x1000  }
0xa0: {  	s7 =	rddreg [dreg:$0x5];
	[sflag:s24] =	ssyncset.done $0x0  }
0xa1: {  	[sflag:s24] =	ssyncadd.s32 $0xFFFFF000;
	s7 =	sadd.s32 s5, s7  }
0xa2: {  	[hbm4b:s7+s2] =	stream.linear.scatter [tilespmem:s28], [sflag:$0x9], $0x1000, $0x38;
	[tilespmem:$0xE400] =	vst v63  }
0xa3: {  	_ =	swait.ge [sflag:s14], $0x1000  }
0xa4: {  	[sflag:s14] =	ssyncset.done $0x0  }
0xa5: {  	s7 =	sadd.s32 $0x700, s6;
	[sflag:s14] =	ssyncadd.s32 $0xFFFFF000  }
0xa6: {  	[tilespmem:s28], [sflag:$0x7] =	stream.indirect.gather [hbm4b:s3+s15], $0x20, s7, s15, $0xb8;
	[tilespmem:$0xE400] =	vst v63  }
0xa7: {  	_ =	swait.ge [sflag:s26], $0x1000  }
0xa8: {  	p0 =	sne.s32 s4, $0x17000;
	s7 =	rddreg [dreg:$0x4];
	[sflag:s26] =	ssyncset.done $0x0  }
.Ltmp0:
0xa9: {  	[sflag:s26] =	ssyncadd.s32 $0xFFFFF000;
	s5 =	sadd.s32 s5, s7;
	(pc) =	sbr.rel @p0 .LBB2_2-.Ltmp0, $4  }
0xaa: {  	[hbm4b:s5+s2] =	stream.linear.scatter [tilespmem:s30], [sflag:$0x9], $0x1000, $0x38;
	[tilespmem:$0xE400] =	vst v63  }
0xab: {  	_ =	swait.ge [sflag:s14], $0x1000  }
0xac: {  	[sflag:s14] =	ssyncset.done $0x0  }
0xad: {  	s4 =	sadd.s32 $0x1000, s4;
	s5 =	sadd.s32 $0x780, s6;
	[sflag:s14] =	ssyncadd.s32 $0xFFFFF000  }
0xae: {  	[tilespmem:s30], [sflag:$0x8] =	stream.indirect.gather [hbm4b:s3+s15], $0x20, s5, s15, $0xb8;
	[tilespmem:$0xE400] =	vst v63  }
0xaf: {  	_ =	swait.ge [sflag:s31], $0x1000  }
0xb0: {  	[sflag:s31] =	ssyncset.done $0x0  }
0xb1: {  	s4 =	rddreg [dreg:$0xc];
	[sflag:s31] =	ssyncadd.s32 $0xFFFFF000  }
0xb2: {  	[hbm4b:s4+s2] =	stream.linear.scatter [tilespmem:s16], [sflag:$0x9], $0x1000, $0x38;
	[tilespmem:$0xE400] =	vst v63  }
0xb3: {  	_ =	swait.ge [sflag:s14], $0x1000  }
0xb4: {  	[sflag:s14] =	ssyncset.done $0x0  }
0xb5: {  	[sflag:s14] =	ssyncadd.s32 $0xFFFFF000  }
0xb6: {  	_ =	swait.ge [sflag:s1], $0x1000  }
0xb7: {  	[sflag:s1] =	ssyncset.done $0x0  }
0xb8: {  	s6 =	rddreg [dreg:$0xd];
	[sflag:s1] =	ssyncadd.s32 $0xFFFFF000  }
0xb9: {  	[hbm4b:s6+s2] =	stream.linear.scatter [tilespmem:s17], [sflag:$0x9], $0x1000, $0x38;
	[tilespmem:$0xE400] =	vst v63  }
0xba: {  	_ =	swait.ge [sflag:s14], $0x1000  }
0xbb: {  	[sflag:s14] =	ssyncset.done $0x0  }
0xbc: {  	[sflag:s14] =	ssyncadd.s32 $0xFFFFF000  }
0xbd: {  	_ =	swait.ge [sflag:s0], $0x1000  }
0xbe: {  	[sflag:s0] =	ssyncset.done $0x0  }
0xbf: {  	s7 =	rddreg [dreg:$0xe];
	[sflag:s0] =	ssyncadd.s32 $0xFFFFF000  }
0xc0: {  	[hbm4b:s7+s2] =	stream.linear.scatter [tilespmem:s19], [sflag:$0x9], $0x1000, $0x38;
	[tilespmem:$0xE400] =	vst v63  }
0xc1: {  	_ =	swait.ge [sflag:s14], $0x1000  }
0xc2: {  	[sflag:s14] =	ssyncset.done $0x0  }
0xc3: {  	[sflag:s14] =	ssyncadd.s32 $0xFFFFF000  }
0xc4: {  	_ =	swait.ge [sflag:s18], $0x1000  }
0xc5: {  	[sflag:s18] =	ssyncset.done $0x0  }
0xc6: {  	[sflag:s18] =	ssyncadd.s32 $0xFFFFF000  }
0xc7: {  	[hbm4b:s8+s2] =	stream.linear.scatter [tilespmem:s21], [sflag:$0x9], $0x1000, $0x38;
	[tilespmem:$0xE400] =	vst v63  }
0xc8: {  	_ =	swait.ge [sflag:s14], $0x1000  }
0xc9: {  	[sflag:s14] =	ssyncset.done $0x0  }
0xca: {  	[sflag:s14] =	ssyncadd.s32 $0xFFFFF000  }
0xcb: {  	_ =	swait.ge [sflag:s20], $0x1000  }
0xcc: {  	[sflag:s20] =	ssyncset.done $0x0  }
0xcd: {  	[sflag:s20] =	ssyncadd.s32 $0xFFFFF000  }
0xce: {  	[hbm4b:s9+s2] =	stream.linear.scatter [tilespmem:s23], [sflag:$0x9], $0x1000, $0x38;
	[tilespmem:$0xE400] =	vst v63  }
0xcf: {  	_ =	swait.ge [sflag:s14], $0x1000  }
0xd0: {  	[sflag:s14] =	ssyncset.done $0x0  }
0xd1: {  	[sflag:s14] =	ssyncadd.s32 $0xFFFFF000  }
0xd2: {  	_ =	swait.ge [sflag:s22], $0x1000  }
0xd3: {  	[sflag:s22] =	ssyncset.done $0x0  }
0xd4: {  	[sflag:s22] =	ssyncadd.s32 $0xFFFFF000  }
0xd5: {  	[hbm4b:s10+s2] =	stream.linear.scatter [tilespmem:s25], [sflag:$0x9], $0x1000, $0x38;
	[tilespmem:$0xE400] =	vst v63  }
0xd6: {  	_ =	swait.ge [sflag:s14], $0x1000  }
0xd7: {  	[sflag:s14] =	ssyncset.done $0x0  }
0xd8: {  	[sflag:s14] =	ssyncadd.s32 $0xFFFFF000  }
0xd9: {  	_ =	swait.ge [sflag:s24], $0x1000  }
0xda: {  	[sflag:s24] =	ssyncset.done $0x0  }
0xdb: {  	[sflag:s24] =	ssyncadd.s32 $0xFFFFF000  }
0xdc: {  	[hbm4b:s11+s2] =	stream.linear.scatter [tilespmem:s28], [sflag:$0x9], $0x1000, $0x38;
	[tilespmem:$0xE400] =	vst v63  }
0xdd: {  	_ =	swait.ge [sflag:s14], $0x1000  }
0xde: {  	[sflag:s14] =	ssyncset.done $0x0  }
0xdf: {  	[sflag:s14] =	ssyncadd.s32 $0xFFFFF000  }
0xe0: {  	s29 =	sadd.s32 $0x1, s29;
	_ =	swait.ge [sflag:s26], $0x1000  }
0xe1: {  	p0 =	sne.s32 s29, s13;
	[sflag:s26] =	ssyncset.done $0x0  }
.Ltmp1:
0xe2: {  	[sflag:s26] =	ssyncadd.s32 $0xFFFFF000;
	(pc) =	sbr.rel @p0 .LBB2_1-.Ltmp1, $4  }
0xe3: {  	[hbm4b:s12+s2] =	stream.linear.scatter [tilespmem:s30], [sflag:$0x9], $0x1000, $0x38;
	[tilespmem:$0xE400] =	vst v63  }
0xe4: {  	_ =	swait.ge [sflag:s14], $0x1000  }
0xe5: {  	[sflag:s14] =	ssyncset.done $0x0  }
0xe6: {  	[sflag:s14] =	ssyncadd.s32 $0xFFFFF000  }
0xe7: {  	_ =	sfence.sel $0x180000  }
0xe8: {  	[bflag:$0x0] =	sbarrier.arrive $0xFFFF  }
0xe9: {  	_ =	strace $0x90000047  }
0xea: {  	s0 =	stileid.u32;
	[bflag:$0x2] =	sbarrier.arrive $0xFFFF  }
0xeb: {  	p0 =	sne.s32 s0, $0x0;
	s0 =	rddreg [dreg:$0x2]  }
0xec: {  	s0 =	sadd.s32 @!p0 $0x100000, s0  }
0xed: {  	[sflag:s0] =	ssyncadd.tile.s32 @!p0 $0x1;
	_ =	shalt  }
.Lfunc_end2:
_tile_overlayer_lowered:
.L_overlay_start_2:
0xee: {  	(tag) =	ssettag $0x2  }
0xef: {  	s0 =	rddreg [dreg:$0x0];
	s2 =	stileid.u32  }
0xf0: {  	s1 =	rddreg [dreg:$0x1];
	p0 =	sne.s32 s2, $0x0  }
0xf1: {  	s3 =	rddreg [dreg:$0x2];
	[bflag:$0x3] =	sbarrier.arrive $0xFFFF;
	s2 =	simm.s32 @!p0 $0x1C09  }
0xf2: {  	[timem:s3], [sflag:s2] =	dma.local @!p0 [hbm:s0], s1  }
0xf3: {  	s0 =	simm.s32 @!p0 $0x9  }
0xf4: {  	_ =	swait.ge @!p0 [sflag:s0], s1  }
0xf5: {  	s1 =	ssub.s32 @!p0 $0x0, s1;
	[sflag:s0] =	ssyncset.done @!p0 $0x0  }
0xf6: {  	[sflag:s0] =	ssyncadd.s32 @!p0 s1  }
0xf7: {  	[bflag:$0x3] =	sbarrier.arrive $0xFFFF  }
0xf8: {  	_ =	shalt  }

// kernel: sparse-core-data-format-call.cloned.1.call-start
scs
called_computation_lowered:
.L_overlay_start_0:
0x0: {  	s2 =	sld [smem:$0x3FD9]  }
0x1: {  	s3 =	sld [smem:$0x3FFE];
	_ =	sdelay $0x1  }
0x2: {  	s1 =	srdreg.scid  }
0x3: {  	s0 =	sand.u32 $0x1, s1  }
0x4: {  	s18 =	sshll.u32 s0, $0xA;
	s2 =	sadd.s32 s3, s2  }
0x5: {  	s2 =	sadd.s32 s2, s18  }
0x6: {  	[smem:$0x3FC6] =	sst s2  }
0x7: {  	_ = 	snop  }
0x8: {  	s2 =	sld [smem:$0x3FD0];
	(tm) =	ssettm $0x1  }
0x9: {  	s19 =	sld [smem:$0x3FFB];
	_ =	sdelay $0x3  }
0xa: {  	_ =	strace s19  }
0xb: {  	s3 =	sld [smem:$0x3FFC];
	_ =	sdelay $0x3  }
0xc: {  	_ =	strace s3  }
0xd: {  	s3 =	sld [smem:$0x3FFD];
	_ =	sdelay $0x3  }
0xe: {  	_ =	strace s3  }
0xf: {  	_ =	strace $0x8FFFFFFF  }
0x10: {  	s20 =	sld [smem:$0x3FDB];
	_ =	sdelay $0x1  }
0x11: {  	s4 =	simm.s32 $_scs_section_size  }
0x12: {  	s5 =	simm.s32 $_size__tile_overlayer_lowered;
	s6 =	simm.s32 $_tile_overlayer_lowered  }
0x13: {  	s23 =	simm.s32 $0x1BFF;
	s22 =	sshll.u32 s6, $0x1;
	s3 =	sadd.s32 s4, s20  }
0x14: {  	s7 =	simm.s32 $0x0;
	s21 =	sshll.u32 s5, $0x1;
	s5 =	sadd.s32 s22, s3  }
0x15: {  	[timem:s7], [sflag:s23] =	dma.local [hbm:s5], s21  }
0x16: {  	_ =	swait.ge [sflag:s23], s21  }
0x17: {  	s4 =	ssub.s32 $0x0, s21;
	[sflag:s23] =	ssyncset.done $0x0  }
0x18: {  	[sflag:s23] =	ssyncadd.s32 s4;
	_ =	sdelay $0x1  }
0x19: {  	s24 =	simm.s32 $0x1B8B  }
0x1a: {  	_ =	swait.ge [sflag:s24], $0x1  }
0x1b: {  	[sflag:s24] =	ssyncset.done $0x0  }
0x1c: {  	s26 =	simm.s32 $0x1B8E;
	s25 =	sld [smem:$0x3FFE];
	[sflag:s24] =	ssyncadd.s32 $0xFFFFFFFF  }
0x1d: {  	s27 =	simm.s32 $execute0_lowered;
	[smem:$0x3FD2] =	sst s26  }
0x1e: {  	s5 =	sshll.u32 s27, $0x1;
	_ =	strace $0x80000049;
	[dreg:$0x1] =	wrdreg $0xFFFFFFFF  }
0x1f: {  	s28 =	simm.s32 $_size_execute0_lowered;
	s3 =	sadd.s32 s3, s5;
	[dreg:$0x0] =	wrdreg $0x0  }
0x20: {  	s5 =	sshll.u32 s28, $0x1;
	[dreg:$0x2] =	wrdreg s3  }
0x21: {  	[dreg:$0x3] =	wrdreg s5  }
0x22: {  	[dreg:$0x4] =	wrdreg $0xC0  }
0x23: {  	_ =	task [dreg:s7], $0x5FFFF  }
0x24: {  	[dreg:$0x1] =	wrdreg $0xFFFFFFFF  }
0x25: {  	[dreg:$0x0] =	wrdreg $0x60  }
0x26: {  	[dreg:$0x2] =	wrdreg s25  }
0x27: {  	[dreg:$0x3] =	wrdreg s2  }
0x28: {  	[dreg:$0x4] =	wrdreg $0x9  }
0x29: {  	_ =	task.clear_ibuf [dreg:s7], $0x5FFFF;
	_ =	strace $0x90000049  }
0x2a: {  	s29 =	simm.s32 $0x9;
	_ =	strace $0x8000004B  }
0x2b: {  	_ =	swait.ge [sflag:s29], $0x1  }
0x2c: {  	[sflag:s29] =	ssyncadd.s32 $0xFFFFFFFF  }
0x2d: {  	_ =	strace $0x9000004B  }
0x2e: {  	_ =	sfence  }
0x2f: {  	s30 =	sld [smem:$0x0];
	_ =	sdelay $0x2  }
0x30: {  	s31 =	sshll.u32 s1, $0xD;
	s1 =	sshrl.u32 s1, $0x2  }
0x31: {  	s3 =	sand.u32 $0x4000, s31;
	s1 =	sadd.s32 s1, s30  }
0x32: {  	s0 =	sor.u32 s3, s0;
	s1 =	sshll.u32 s1, $0x11  }
0x33: {  	s0 =	sor.u32 s1, s0  }
0x34: {  	s0 =	sadd.s32 $0x8F2B, s0  }
0x35: {  	[sflag:s0] =	ssyncadd.remote.s32 $0x1  }
0x36: {  	_ =	sfence.sel $0xFFFF  }
0x37: {  	[dreg:$0x0] =	wrdreg $0xFFFFFFFF;
	(pc) =	sbr.abs _section_cstart, $3  }
0x38: {  	[dreg:$0x1] =	wrdreg $0xFFFFFFFF  }
0x39: {  	_ =	task.clear_ibuf [dreg:s7], $0x2FFFF;
	_ =	strace $0x9FFFFFFF  }
0x3a: {  	(tm) =	ssettm $0x7FFFFFFF  }
0x3b: {  	_ =	shalt  }
tec
execute0_lowered:
.L_overlay_start_1:
0x0: {  	(tag) =	ssettag $0x1  }
0x1: {  	s0 =	srdreg.scid  }
0x2: {  	s1 =	sshll.u32 s0, $0x4  }
0x3: {  	s0 =	stileid.u32;
	s1 =	sand.u32 $0x10, s1  }
0x4: {  	s1 =	sor.u32 s0, s1  }
0x5: {  	s6 =	rddreg [dreg:$0x0];
	s4 =	simm.s32 $0x1;
	s2 =	sshll.u32 s1, $0x7  }
0x6: {  	s7 =	simm.s32 $0x2;
	s12 =	simm.s32 $0x0;
	s1 =	ssub.s32 $0x1000, s2  }
0x7: {  	s8 =	simm.s32 $0x8000;
	s13 =	simm.s32 $0x0;
	s3 =	sand.u32 $0xF80, s1  }
0x8: {  	s9 =	simm.s32 $0x0;
	s5 =	sshrl.u32 s1, $0xC;
	p0 =	sne.s32 s3, $0x0  }
.Ltmp0:
0x9: {  	s1 =	rddreg [dreg:$0x2];
	s4 =	simm.s32 @!p0 $0x0;
	(pc) =	sbr.rel .LBB1_1-.Ltmp0, $4  }
0xa: {  	s11 =	simm.s32 $0x0;
	s3 =	rddreg [dreg:$0x1];
	s5 =	sadd.s32 s4, s5  }
0xb: {  	_ =	strace $0x8000004A;
	s4 =	simm.s32 $0x1;
	s5 =	smul.u32 $0xC8, s5  }
0xc: {  	s6 =	sadd.s32 $0xA00, s6;
	s10 =	smov.u32 s2;
	[sflag:s4] =	ssyncpa.u1 $0x0  }
0xd: {  	p0 =	por $0x0, $0x0;
	[sflag:s7] =	ssyncpa.u1 $0x0;
	s7 =	sor.u32 $0x1, s5  }
.LBB1_4:
0xe: {  	s16 =	sshll.u32 s13, $0x3;
	s17 =	sand.u32 $0x78, s13  }
0xf: {  	s30 =	sand.u32 $0x3E00, s13;
	s12 =	sshll.u32 s12, $0xE;
	s16 =	sand.u32 $0xC00, s16  }
0x10: {  	s31 =	sand.u32 $0x7, s13;
	s16 =	sor.u32 s17, s16;
	s17 =	sadd.s32 s3, s30  }
0x11: {  	s13 =	sshll.u32 s31, $0x12;
	s16 =	sshrl.u32 s16, $0x3;
	s12 =	sadd.s32 s12, s17  }
0x12: {  	[tilespmem:s15+$0x0 ss:$0x81] =	vst.msk $0xffff, v0;
	s13 =	sor.u32 $0x400, s13;
	s12 =	sadd.s32 s16, s12  }
0x13: {  	[hbm4b:s12+s13] =	stream.strided.scatter [tilespmem:s14], [sflag:$0x2], $0x1000, s8, s13, $0x20;
	[tilespmem:$0x4040] =	vst v63  }
.LBB1_5:
0x14: {  	s14 =	sadd.s32 $0x1, s9  }
0x15: {  	s12 =	sadd.s32 $0x1000, s10;
	s16 =	smov.u32 s10;
	p2 =	sgt.s32 s14, $0xC7  }
0x16: {  	s16 =	smov.u32 @p2 s12  }
0x17: {  	s14 =	simm.s32 @p2 $0x0;
	p2 =	sgt.s32 s16, $0xFFF  }
0x18: {  	s16 =	smov.u32 @p2 s2;
	p2 =	sne.s32 s11, s7  }
.Ltmp1:
0x19: {  	p1 =	slt.u32 s11, $0x2;
	(pc) =	sbr.rel @!p2 .LBB1_6-.Ltmp1, $4  }
0x1a: {  	s15 =	simm.s32 @!p1 $0x2  }
0x1b: {  	s13 =	smov.u32 s10;
	p0 =	por !p0, !p0;
	_ =	swait.ge @!p1 [sflag:s15], $0x1000  }
0x1c: {  	s12 =	smov.u32 s9;
	[sflag:s15] =	ssyncset.done @!p1 $0x0;
	s9 =	smov.u32 s14  }
0x1d: {  	s11 =	sadd.s32 $0x1, s11;
	[sflag:s15] =	ssyncadd.s32 @!p1 $0xFFFFF000;
	s10 =	smov.u32 s16  }
.LBB1_1:
0x1e: {  	p1 =	sge.u32 s11, s5  }
0x1f: {  	s14 =	sand.u32 @!p1 $0x1FFFFFF, s9  }
0x20: {  	s15 =	smulhi.u32 @!p1 $0x147AE15, s14;
	_ =	sdelay $0x1  }
0x21: {  	s15 =	smul.u32 @!p1 $0xC8, s15  }
0x22: {  	s16 =	sxor.u32 @!p1 $0xFFFFFFFF, s11;
	s17 =	smul.u32 @!p1 $0xC80, s10  }
0x23: {  	s31 =	sadd.s32 $0xFFFFFFFF, s11;
	s16 =	sshll.u32 @!p1 s16, $0xC;
	s14 =	ssub.s32 @!p1 s14, s15  }
0x24: {  	s15 =	sand.u32 @!p1 $0x1000, s16;
	s16 =	sadd.s32 @!p1 s6, s17;
	s14 =	sshll.u32 @!p1 s14, $0x4  }
0x25: {  	s17 =	simm.s32 @!p1 $0x6400;
	s14 =	sadd.s32 @!p1 s14, s16;
	s16 =	simm.s32 @!p1 $0x20  }
0x26: {  	[tilespmem:s15], [sflag:$0x1] =	stream.strided.gather @!p1 [hbm4b:s14+s16], $0x1000, s17, s16, $0x38;
	[tilespmem:$0x4040] =	vst v63  }
0x27: {  	p1 =	sge.u32 s31, s5  }
.Ltmp2:
0x28: {  	_ = 	snop;
	(pc) =	sbr.rel @p1 .LBB1_5-.Ltmp2, $1  }
0x29: {  	_ =	sdelay $0x3  }
0x2a: {  	s14 =	simm.s32 $0x1  }
0x2b: {  	_ =	swait.ge [sflag:s4], $0x1000;
	s14 =	simm.s32 @!p0 $0x0  }
0x2c: {  	[sflag:s4] =	ssyncset.done $0x0;
	s15 =	sshll.u32 s14, $0xC  }
0x2d: {  	[sflag:s4] =	ssyncadd.s32 $0xFFFFF000;
	s18 =	sor.u32 $0x10, s15  }
0x2e: {  	s14 =	smul.u32 $0x4080, s14;
	v1 =	vld [tilespmem:s18+$0x0]  }
0x2f: {  	s30 =	sand.u32 $0x1, s11;
	v0 =	vld [tilespmem:s18+$0xFFFFFFF0]  }
0x30: {  	s15 =	smul.u32 $0x4080, s30;
	s14 =	sshrl.u32 s14, $0x2  }
0x31: {  	s16 =	sor.u32 $0x2000, s14  }
0x32: {  	s31 =	sshrl.u32 s15, $0x2;
	s15 =	sadd.s32 $0x0, s16  }
0x33: {  	s17 =	simm.s32 $0x4;
	s18 =	sadd.s32 $0x20, s18;
	s14 =	sor.u32 $0x2000, s31;
	[tilespmem:s15+$0x810 ss:$0x81] =	vst.msk $0xffff, v1  }
.LBB1_3:
0x34: {  	v1 =	vld [tilespmem:s18+$0x0];
	p1 =	sne.s32 s17, $0x1FC;
	[tilespmem:s15+$0x0 ss:$0x81] =	vst.msk $0xffff, v0;
	s15 =	smov.u32 s17;
	s17 =	sadd.s32 $0x4, s17  }
.Ltmp3:
0x35: {  	v0 =	vld [tilespmem:s18+$0xFFFFFFF0];
	(pc) =	sbr.rel @p1 .LBB1_3-.Ltmp3, $4  }
0x36: {  	_ = 	snop  }
0x37: {  	s15 =	sshra.s32 s15, $0x2  }
0x38: {  	s15 =	sadd.s32 s15, s16  }
0x39: {  	s18 =	sadd.s32 $0x20, s18;
	[tilespmem:s15+$0x810 ss:$0x81] =	vst.msk $0xffff, v1  }
.Ltmp4:
0x3a: {  	_ = 	snop;
	(pc) =	sbr.rel .LBB1_4-.Ltmp4, $1  }
0x3b: {  	_ =	sdelay $0x3  }
.LBB1_6:
0x3c: {  	_ =	sfence.sel $0x180000  }
0x3d: {  	s2 =	simm.s32 $0x1;
	[bflag:$0x0] =	sbarrier.arrive $0xFFFF  }
0x3e: {  	s31 =	simm.s32 $0x2;
	[sflag:s2] =	ssyncpa.u1 $0x1  }
0x3f: {  	[sflag:s31] =	ssyncpa.u1 $0x1  }
0x40: {  	p0 =	sne.s32 s0, $0x0;
	_ =	strace $0x9000004A  }
0x41: {  	s0 =	sadd.s32 @!p0 $0x100000, s1;
	[bflag:$0x2] =	sbarrier.arrive $0xFFFF  }
0x42: {  	[sflag:s0] =	ssyncadd.tile.s32 @!p0 $0x1;
	_ =	shalt  }
.Lfunc_end1:
_tile_overlayer_lowered:
.L_overlay_start_2:
0x43: {  	(tag) =	ssettag $0x2  }
0x44: {  	s0 =	rddreg [dreg:$0x0];
	s2 =	stileid.u32  }
0x45: {  	s1 =	rddreg [dreg:$0x1];
	p0 =	sne.s32 s2, $0x0  }
0x46: {  	s3 =	rddreg [dreg:$0x2];
	[bflag:$0x3] =	sbarrier.arrive $0xFFFF;
	s2 =	simm.s32 @!p0 $0x1C01  }
0x47: {  	[timem:s3], [sflag:s2] =	dma.local @!p0 [hbm:s0], s1  }
0x48: {  	s0 =	simm.s32 @!p0 $0x1  }
0x49: {  	_ =	swait.ge @!p0 [sflag:s0], s1  }
0x4a: {  	s1 =	ssub.s32 @!p0 $0x0, s1;
	[sflag:s0] =	ssyncset.done @!p0 $0x0  }
0x4b: {  	[sflag:s0] =	ssyncadd.s32 @!p0 s1  }
0x4c: {  	[bflag:$0x3] =	sbarrier.arrive $0xFFFF  }
0x4d: {  	_ =	shalt  }

</sc_bundles>
